<compile_context>
chip_gen: v7x
topology: tpu7x:2x2x1
jax: 0.10.2.dev20260603
libtpu: 0.0.44.dev20260713+nightly
codegen_flags: <defaults>
</compile_context>

<pallas_src>
import functools

import jax
import jax.numpy as jnp
from jax import lax
from jax.experimental import pallas as pl
from jax.experimental.pallas import tpu as pltpu
from jax.experimental.pallas import tpu_sc as plsc

T = 26
B = 4096
L = 20
V = 100000
D = 128

NC = 2
NS = 16
NW = NC * NS

BAGS_W = B // NW
IDX_W = BAGS_W * L
NB = 16
RPC = NB * L
NCHUNK = BAGS_W // NB
DMA_ROWS = 80
DPC = RPC // DMA_ROWS
IDX_ROWS_W = IDX_W // DMA_ROWS
IDX_ROWS_T = B * L // DMA_ROWS


def _dlrm_pool_sc(idx2d, tables2d):
    mesh = plsc.VectorSubcoreMesh(core_axis_name="c", subcore_axis_name="s")

    @functools.partial(
        pl.kernel,
        mesh=mesh,
        out_type=jax.ShapeDtypeStruct((T * B, D), jnp.float32),
        scratch_types=[
            pltpu.VMEM((IDX_ROWS_W, DMA_ROWS), jnp.int32),
            pltpu.VMEM((RPC, D), jnp.float32),
            pltpu.VMEM((NB, D), jnp.float32),
            pltpu.SemaphoreType.DMA,
        ],
    )
    def body(idx_hbm, tbl_hbm, out_hbm, idx_v, rows_v, pool_v, gsem):
        wid = lax.axis_index("s") * NC + lax.axis_index("c")

        def table_body(t, carry):
            pltpu.sync_copy(
                idx_hbm.at[pl.ds(t * IDX_ROWS_T + wid * IDX_ROWS_W, IDX_ROWS_W), :],
                idx_v,
            )

            def chunk_body(c, carry2):
                copies = [
                    pltpu.async_copy(
                        tbl_hbm.at[idx_v.at[c * DPC + q]],
                        rows_v.at[pl.ds(q * DMA_ROWS, DMA_ROWS), :],
                        gsem,
                    )
                    for q in range(DPC)
                ]
                for cp in copies:
                    cp.wait()

                def bag_body(b, carry3):
                    rbase = b * L
                    for col in range(D // 16):
                        sl = pl.ds(col * 16, 16)
                        acc = rows_v[rbase, sl]
                        for j in range(1, L):
                            acc = acc + rows_v[rbase + j, sl]
                        pool_v[b, sl] = acc
                    return carry3

                lax.fori_loop(0, NB, bag_body, 0)
                pltpu.sync_copy(
                    pool_v,
                    out_hbm.at[pl.ds(t * B + wid * BAGS_W + c * NB, NB), :],
                )
                return carry2

            lax.fori_loop(0, NCHUNK, chunk_body, 0)
            return carry

        lax.fori_loop(0, T, table_body, 0)

    return body(idx2d, tables2d)


def kernel(lS_i, lS_o, emb_tables):
    del lS_o
    flat_idx = lS_i + (jnp.arange(T, dtype=jnp.int32) * V)[:, None]
    idx2d = flat_idx.reshape(T * B * L // DMA_ROWS, DMA_ROWS)
    tables2d = emb_tables.reshape(T * V, D)
    out = _dlrm_pool_sc(idx2d, tables2d)
    return out.reshape(T, B, D)

# --- scband reference (transcript-rebuilt; emitter-appended) ---
"""Pipeline reference for scband-param-dlrm-net-12790412607703 (READ-ONLY COPY).

The authoritative reference and input builder live on the scoring server;
editing this copy changes nothing except your own understanding.
"""

import jax, jax.numpy as jnp
import numpy as np

T = 26      # number of sparse feature tables (n_sparse_fields)
B = 4096    # batch size
L = 20      # pooling factor (lookups per bag)
V = 100000  # rows per embedding table (vocab)
D = 128     # arch_sparse_feature_size (embedding dim)


def setup_inputs(seed: int = 0) -> dict:
    key = jax.random.key(seed)
    k1, k2 = jax.random.split(key)
    # per-table index batches: lS_i[k] holds B*L indices for table k
    lS_i = jax.random.randint(k1, (T, B * L), 0, V, dtype=jnp.int32)
    # per-table offsets: fixed pooling factor L -> offsets are 0, L, 2L, ...
    lS_o = jnp.tile(jnp.arange(B, dtype=jnp.int32) * L, (T, 1))
    # learned embedding tables (emb_l in apply_emb), one [V, D] table per sparse feature
    emb_tables = jax.random.normal(k2, (T, V, D), dtype=jnp.float32) * 0.01
    return {"lS_i": lS_i, "lS_o": lS_o, "emb_tables": emb_tables}


def reference(lS_i, lS_o, emb_tables):
    # Faithful jax translation of paramDLRM_Net.apply_emb with EmbeddingBag(sum)
    # semantics (DLRM pooled sparse lookup). mixed_dim=False -> torch.stack.
    n_idx = lS_i.shape[1]
    ly = []
    for k in range(T):
        idx = lS_i[k]
        offsets = lS_o[k]
        # gather rows from this table's embedding matrix
        gathered = jnp.take(emb_tables[k], idx, axis=0)  # [B*L, D]
        # offsets -> segment ids (which bag each index belongs to)
        seg_ids = jnp.searchsorted(offsets, jnp.arange(n_idx, dtype=offsets.dtype), side='right') - 1
        # pooled (sum-reduced) bag embeddings, one row per batch element
        pooled = jax.ops.segment_sum(gathered, seg_ids, num_segments=B)  # [B, D]
        ly.append(pooled)
    return jnp.stack(ly)  # [T, B, D]

if __name__ == "__main__":
    import jax
    _d = setup_inputs()
    print(jax.jit(kernel)(*tuple(_d.values())))

</pallas_src>

<mosaic_0001>
#map = affine_map<(d0, d1) -> (0, 0)>
module attributes {stable_mosaic.version = 14 : i64} {
  func.func @body(%arg0: i32, %arg1: i32, %arg2: memref<26624x80xi32, #tpu.memory_space<hbm>>, %arg3: memref<2600000x128xf32, #tpu.memory_space<hbm>>, %arg4: memref<106496x128xf32, #tpu.memory_space<hbm>>, %arg5: memref<32x80xi32, #tpu.memory_space<vmem>>, %arg6: memref<320x128xf32, #tpu.memory_space<vmem>>, %arg7: memref<16x128xf32, #tpu.memory_space<vmem>>, %arg8: memref<!tpu.dma_semaphore, #tpu.memory_space<semaphore_mem>>) attributes {dimension_semantics = [#tpu.dimension_semantics<core_parallel>, #tpu.dimension_semantics<subcore_parallel>], iteration_bounds = array<i64: 2, 16>, scalar_prefetch = 0 : i64, scratch_operands = 4 : i64, tpu.core_type = #tpu.core_type<sc_vector_subcore>, window_params = [{transform_indices = #map}, {transform_indices = #map}, {transform_indices = #map}]} {
    %mul3A = arith.constant 2 : i32
    %mul3A_0 = arith.muli %arg1, %mul3A : i32
    %add3A = arith.addi %mul3A_0, %arg0 : i32
    %scan3A = arith.constant 0 : i32
    %scan3A_1 = arith.constant 0 : i32
    %scan3A_2 = arith.constant 26 : i32
    %scan3A_3 = arith.addi %scan3A_1, %scan3A_2 : i32
    %scan3A_4 = arith.constant 1 : i32
    scf.for %scan3A_6 = %scan3A_1 to %scan3A_3 step %scan3A_4  : i32 {
      %mul3A_7 = arith.constant 1024 : i32
      %mul3A_8 = arith.muli %scan3A_6, %mul3A_7 : i32
      %mul3A_9 = arith.constant 32 : i32
      %mul3A_10 = arith.muli %add3A, %mul3A_9 : i32
      %add3A_11 = arith.addi %mul3A_8, %mul3A_10 : i32
      "tpu.region"() ({
        %run_scoped3A = tpu.sem_alloc : memref<!tpu.dma_semaphore, #tpu.memory_space<semaphore_mem>>
        %dma_start3A = arith.constant 0 : i32
        %dma_start3A_18 = tpu.memref_slice %arg2[%add3A_11, %dma_start3A] : memref<26624x80xi32, #tpu.memory_space<hbm>> -> memref<32x80xi32, #tpu.memory_space<hbm>>
        %dma_start3A_19 = arith.constant 0 : i32
        %dma_start3A_20 = tpu.memref_slice %arg2[%add3A_11, %dma_start3A_19] : memref<26624x80xi32, #tpu.memory_space<hbm>> -> memref<32x80xi32, #tpu.memory_space<hbm>>
        tpu.enqueue_dma source(%dma_start3A_20 : memref<32x80xi32, #tpu.memory_space<hbm>>) target(%arg5 : memref<32x80xi32, #tpu.memory_space<vmem>>) target_semaphore(%run_scoped3A : memref<!tpu.dma_semaphore, #tpu.memory_space<semaphore_mem>>)
        %dma_wait3A = arith.constant 0 : i32
        %dma_wait3A_21 = tpu.memref_slice %arg2[%add3A_11, %dma_wait3A] : memref<26624x80xi32, #tpu.memory_space<hbm>> -> memref<32x80xi32, #tpu.memory_space<hbm>>
        %dma_wait3A_22 = arith.constant 0 : i32
        %dma_wait3A_23 = tpu.memref_slice %arg2[%add3A_11, %dma_wait3A_22] : memref<26624x80xi32, #tpu.memory_space<hbm>> -> memref<32x80xi32, #tpu.memory_space<hbm>>
        tpu.wait_dma2 semaphore(%run_scoped3A : memref<!tpu.dma_semaphore, #tpu.memory_space<semaphore_mem>>) src(%dma_wait3A_23 : memref<32x80xi32, #tpu.memory_space<hbm>>) dst(%arg5 : memref<32x80xi32, #tpu.memory_space<vmem>>)
        tpu.yield
      }) : () -> ()
      %scan3A_12 = arith.constant 0 : i32
      %scan3A_13 = arith.constant 0 : i32
      %scan3A_14 = arith.constant 8 : i32
      %scan3A_15 = arith.addi %scan3A_13, %scan3A_14 : i32
      %scan3A_16 = arith.constant 1 : i32
      scf.for %scan3A_18 = %scan3A_13 to %scan3A_15 step %scan3A_16  : i32 {
        %mul3A_19 = arith.constant 4 : i32
        %mul3A_20 = arith.muli %scan3A_18, %mul3A_19 : i32
        %add3A_21 = arith.constant 0 : i32
        %add3A_22 = arith.addi %mul3A_20, %add3A_21 : i32
        %dma_start3A = arith.constant 0 : i32
        %dma_start3A_23 = arith.constant 0 : i32
        %dma_start3A_24 = tpu.memref_slice %arg6[%dma_start3A, %dma_start3A_23] : memref<320x128xf32, #tpu.memory_space<vmem>> -> memref<80x128xf32, #tpu.memory_space<vmem>>
        %dma_start3A_25 = arith.constant 0 : i32
        %dma_start3A_26 = tpu.memref_slice %arg5[%add3A_22, %dma_start3A_25] : memref<32x80xi32, #tpu.memory_space<vmem>> -> memref<1x80xi32, #tpu.memory_space<vmem>>
        %dma_start3A_27 = tpu.memref_squeeze %dma_start3A_26 : memref<1x80xi32, #tpu.memory_space<vmem>> -> memref<80xi32, #tpu.memory_space<vmem>>
        %dma_start3A_28 = arith.constant 0 : i32
        %dma_start3A_29 = arith.constant 0 : i32
        %dma_start3A_30 = tpu.memref_slice %arg3[%dma_start3A_28, %dma_start3A_29] : memref<2600000x128xf32, #tpu.memory_space<hbm>> -> memref<2600000x128xf32, #tpu.memory_space<hbm>>
        tpu.enqueue_indirect_dma source(%dma_start3A_30 : memref<2600000x128xf32, #tpu.memory_space<hbm>>) target(%dma_start3A_24 : memref<80x128xf32, #tpu.memory_space<vmem>>) offsets(%dma_start3A_27 : memref<80xi32, #tpu.memory_space<vmem>>) semaphore(%arg8 : memref<!tpu.dma_semaphore, #tpu.memory_space<semaphore_mem>>)
        %mul3A_31 = arith.constant 4 : i32
        %mul3A_32 = arith.muli %scan3A_18, %mul3A_31 : i32
        %add3A_33 = arith.constant 1 : i32
        %add3A_34 = arith.addi %mul3A_32, %add3A_33 : i32
        %dma_start3A_35 = arith.constant 80 : i32
        %dma_start3A_36 = arith.constant 0 : i32
        %dma_start3A_37 = tpu.memref_slice %arg6[%dma_start3A_35, %dma_start3A_36] : memref<320x128xf32, #tpu.memory_space<vmem>> -> memref<80x128xf32, #tpu.memory_space<vmem>>
        %dma_start3A_38 = arith.constant 0 : i32
        %dma_start3A_39 = tpu.memref_slice %arg5[%add3A_34, %dma_start3A_38] : memref<32x80xi32, #tpu.memory_space<vmem>> -> memref<1x80xi32, #tpu.memory_space<vmem>>
        %dma_start3A_40 = tpu.memref_squeeze %dma_start3A_39 : memref<1x80xi32, #tpu.memory_space<vmem>> -> memref<80xi32, #tpu.memory_space<vmem>>
        %dma_start3A_41 = arith.constant 0 : i32
        %dma_start3A_42 = arith.constant 0 : i32
        %dma_start3A_43 = tpu.memref_slice %arg3[%dma_start3A_41, %dma_start3A_42] : memref<2600000x128xf32, #tpu.memory_space<hbm>> -> memref<2600000x128xf32, #tpu.memory_space<hbm>>
        tpu.enqueue_indirect_dma source(%dma_start3A_43 : memref<2600000x128xf32, #tpu.memory_space<hbm>>) target(%dma_start3A_37 : memref<80x128xf32, #tpu.memory_space<vmem>>) offsets(%dma_start3A_40 : memref<80xi32, #tpu.memory_space<vmem>>) semaphore(%arg8 : memref<!tpu.dma_semaphore, #tpu.memory_space<semaphore_mem>>)
        %mul3A_44 = arith.constant 4 : i32
        %mul3A_45 = arith.muli %scan3A_18, %mul3A_44 : i32
        %add3A_46 = arith.constant 2 : i32
        %add3A_47 = arith.addi %mul3A_45, %add3A_46 : i32
        %dma_start3A_48 = arith.constant 160 : i32
        %dma_start3A_49 = arith.constant 0 : i32
        %dma_start3A_50 = tpu.memref_slice %arg6[%dma_start3A_48, %dma_start3A_49] : memref<320x128xf32, #tpu.memory_space<vmem>> -> memref<80x128xf32, #tpu.memory_space<vmem>>
        %dma_start3A_51 = arith.constant 0 : i32
        %dma_start3A_52 = tpu.memref_slice %arg5[%add3A_47, %dma_start3A_51] : memref<32x80xi32, #tpu.memory_space<vmem>> -> memref<1x80xi32, #tpu.memory_space<vmem>>
        %dma_start3A_53 = tpu.memref_squeeze %dma_start3A_52 : memref<1x80xi32, #tpu.memory_space<vmem>> -> memref<80xi32, #tpu.memory_space<vmem>>
        %dma_start3A_54 = arith.constant 0 : i32
        %dma_start3A_55 = arith.constant 0 : i32
        %dma_start3A_56 = tpu.memref_slice %arg3[%dma_start3A_54, %dma_start3A_55] : memref<2600000x128xf32, #tpu.memory_space<hbm>> -> memref<2600000x128xf32, #tpu.memory_space<hbm>>
        tpu.enqueue_indirect_dma source(%dma_start3A_56 : memref<2600000x128xf32, #tpu.memory_space<hbm>>) target(%dma_start3A_50 : memref<80x128xf32, #tpu.memory_space<vmem>>) offsets(%dma_start3A_53 : memref<80xi32, #tpu.memory_space<vmem>>) semaphore(%arg8 : memref<!tpu.dma_semaphore, #tpu.memory_space<semaphore_mem>>)
        %mul3A_57 = arith.constant 4 : i32
        %mul3A_58 = arith.muli %scan3A_18, %mul3A_57 : i32
        %add3A_59 = arith.constant 3 : i32
        %add3A_60 = arith.addi %mul3A_58, %add3A_59 : i32
        %dma_start3A_61 = arith.constant 240 : i32
        %dma_start3A_62 = arith.constant 0 : i32
        %dma_start3A_63 = tpu.memref_slice %arg6[%dma_start3A_61, %dma_start3A_62] : memref<320x128xf32, #tpu.memory_space<vmem>> -> memref<80x128xf32, #tpu.memory_space<vmem>>
        %dma_start3A_64 = arith.constant 0 : i32
        %dma_start3A_65 = tpu.memref_slice %arg5[%add3A_60, %dma_start3A_64] : memref<32x80xi32, #tpu.memory_space<vmem>> -> memref<1x80xi32, #tpu.memory_space<vmem>>
        %dma_start3A_66 = tpu.memref_squeeze %dma_start3A_65 : memref<1x80xi32, #tpu.memory_space<vmem>> -> memref<80xi32, #tpu.memory_space<vmem>>
        %dma_start3A_67 = arith.constant 0 : i32
        %dma_start3A_68 = arith.constant 0 : i32
        %dma_start3A_69 = tpu.memref_slice %arg3[%dma_start3A_67, %dma_start3A_68] : memref<2600000x128xf32, #tpu.memory_space<hbm>> -> memref<2600000x128xf32, #tpu.memory_space<hbm>>
        tpu.enqueue_indirect_dma source(%dma_start3A_69 : memref<2600000x128xf32, #tpu.memory_space<hbm>>) target(%dma_start3A_63 : memref<80x128xf32, #tpu.memory_space<vmem>>) offsets(%dma_start3A_66 : memref<80xi32, #tpu.memory_space<vmem>>) semaphore(%arg8 : memref<!tpu.dma_semaphore, #tpu.memory_space<semaphore_mem>>)
        %dma_wait3A = arith.constant 0 : i32
        %dma_wait3A_70 = arith.constant 0 : i32
        %dma_wait3A_71 = tpu.memref_slice %arg6[%dma_wait3A, %dma_wait3A_70] : memref<320x128xf32, #tpu.memory_space<vmem>> -> memref<80x128xf32, #tpu.memory_space<vmem>>
        %dma_wait3A_72 = arith.constant 0 : i32
        %dma_wait3A_73 = tpu.memref_slice %arg5[%add3A_22, %dma_wait3A_72] : memref<32x80xi32, #tpu.memory_space<vmem>> -> memref<1x80xi32, #tpu.memory_space<vmem>>
        %dma_wait3A_74 = tpu.memref_squeeze %dma_wait3A_73 : memref<1x80xi32, #tpu.memory_space<vmem>> -> memref<80xi32, #tpu.memory_space<vmem>>
        %dma_wait3A_75 = arith.constant 0 : i32
        %dma_wait3A_76 = arith.constant 0 : i32
        %dma_wait3A_77 = tpu.memref_slice %arg3[%dma_wait3A_75, %dma_wait3A_76] : memref<2600000x128xf32, #tpu.memory_space<hbm>> -> memref<2600000x128xf32, #tpu.memory_space<hbm>>
        tpu.wait_indirect_dma semaphore(%arg8 : memref<!tpu.dma_semaphore, #tpu.memory_space<semaphore_mem>>) src(%dma_wait3A_77 : memref<2600000x128xf32, #tpu.memory_space<hbm>>) dst(%dma_wait3A_71 : memref<80x128xf32, #tpu.memory_space<vmem>>)
        %dma_wait3A_78 = arith.constant 80 : i32
        %dma_wait3A_79 = arith.constant 0 : i32
        %dma_wait3A_80 = tpu.memref_slice %arg6[%dma_wait3A_78, %dma_wait3A_79] : memref<320x128xf32, #tpu.memory_space<vmem>> -> memref<80x128xf32, #tpu.memory_space<vmem>>
        %dma_wait3A_81 = arith.constant 0 : i32
        %dma_wait3A_82 = tpu.memref_slice %arg5[%add3A_34, %dma_wait3A_81] : memref<32x80xi32, #tpu.memory_space<vmem>> -> memref<1x80xi32, #tpu.memory_space<vmem>>
        %dma_wait3A_83 = tpu.memref_squeeze %dma_wait3A_82 : memref<1x80xi32, #tpu.memory_space<vmem>> -> memref<80xi32, #tpu.memory_space<vmem>>
        %dma_wait3A_84 = arith.constant 0 : i32
        %dma_wait3A_85 = arith.constant 0 : i32
        %dma_wait3A_86 = tpu.memref_slice %arg3[%dma_wait3A_84, %dma_wait3A_85] : memref<2600000x128xf32, #tpu.memory_space<hbm>> -> memref<2600000x128xf32, #tpu.memory_space<hbm>>
        tpu.wait_indirect_dma semaphore(%arg8 : memref<!tpu.dma_semaphore, #tpu.memory_space<semaphore_mem>>) src(%dma_wait3A_86 : memref<2600000x128xf32, #tpu.memory_space<hbm>>) dst(%dma_wait3A_80 : memref<80x128xf32, #tpu.memory_space<vmem>>)
        %dma_wait3A_87 = arith.constant 160 : i32
        %dma_wait3A_88 = arith.constant 0 : i32
        %dma_wait3A_89 = tpu.memref_slice %arg6[%dma_wait3A_87, %dma_wait3A_88] : memref<320x128xf32, #tpu.memory_space<vmem>> -> memref<80x128xf32, #tpu.memory_space<vmem>>
        %dma_wait3A_90 = arith.constant 0 : i32
        %dma_wait3A_91 = tpu.memref_slice %arg5[%add3A_47, %dma_wait3A_90] : memref<32x80xi32, #tpu.memory_space<vmem>> -> memref<1x80xi32, #tpu.memory_space<vmem>>
        %dma_wait3A_92 = tpu.memref_squeeze %dma_wait3A_91 : memref<1x80xi32, #tpu.memory_space<vmem>> -> memref<80xi32, #tpu.memory_space<vmem>>
        %dma_wait3A_93 = arith.constant 0 : i32
        %dma_wait3A_94 = arith.constant 0 : i32
        %dma_wait3A_95 = tpu.memref_slice %arg3[%dma_wait3A_93, %dma_wait3A_94] : memref<2600000x128xf32, #tpu.memory_space<hbm>> -> memref<2600000x128xf32, #tpu.memory_space<hbm>>
        tpu.wait_indirect_dma semaphore(%arg8 : memref<!tpu.dma_semaphore, #tpu.memory_space<semaphore_mem>>) src(%dma_wait3A_95 : memref<2600000x128xf32, #tpu.memory_space<hbm>>) dst(%dma_wait3A_89 : memref<80x128xf32, #tpu.memory_space<vmem>>)
        %dma_wait3A_96 = arith.constant 240 : i32
        %dma_wait3A_97 = arith.constant 0 : i32
        %dma_wait3A_98 = tpu.memref_slice %arg6[%dma_wait3A_96, %dma_wait3A_97] : memref<320x128xf32, #tpu.memory_space<vmem>> -> memref<80x128xf32, #tpu.memory_space<vmem>>
        %dma_wait3A_99 = arith.constant 0 : i32
        %dma_wait3A_100 = tpu.memref_slice %arg5[%add3A_60, %dma_wait3A_99] : memref<32x80xi32, #tpu.memory_space<vmem>> -> memref<1x80xi32, #tpu.memory_space<vmem>>
        %dma_wait3A_101 = tpu.memref_squeeze %dma_wait3A_100 : memref<1x80xi32, #tpu.memory_space<vmem>> -> memref<80xi32, #tpu.memory_space<vmem>>
        %dma_wait3A_102 = arith.constant 0 : i32
        %dma_wait3A_103 = arith.constant 0 : i32
        %dma_wait3A_104 = tpu.memref_slice %arg3[%dma_wait3A_102, %dma_wait3A_103] : memref<2600000x128xf32, #tpu.memory_space<hbm>> -> memref<2600000x128xf32, #tpu.memory_space<hbm>>
        tpu.wait_indirect_dma semaphore(%arg8 : memref<!tpu.dma_semaphore, #tpu.memory_space<semaphore_mem>>) src(%dma_wait3A_104 : memref<2600000x128xf32, #tpu.memory_space<hbm>>) dst(%dma_wait3A_98 : memref<80x128xf32, #tpu.memory_space<vmem>>)
        %scan3A_105 = arith.constant 0 : i32
        %scan3A_106 = arith.constant 0 : i32
        %scan3A_107 = arith.constant 16 : i32
        %scan3A_108 = arith.addi %scan3A_106, %scan3A_107 : i32
        %scan3A_109 = arith.constant 1 : i32
        scf.for %scan3A_119 = %scan3A_106 to %scan3A_108 step %scan3A_109  : i32 {
          %mul3A_120 = arith.constant 20 : i32
          %mul3A_121 = arith.muli %scan3A_119, %mul3A_120 : i32
          %get3A = arith.index_cast %mul3A_121 : i32 to index
          %get3A_122 = arith.constant 0 : index
          %get3A_123 = tpu.vector_load %arg6[%get3A, %get3A_122] {strides = array<i32>} : memref<320x128xf32, #tpu.memory_space<vmem>>, vector<1x16xf32>,
          %get3A_124 = vector.shape_cast %get3A_123 : vector<1x16xf32> to vector<16xf32>
          %add3A_125 = arith.constant 1 : i32
          %add3A_126 = arith.addi %mul3A_121, %add3A_125 : i32
          %get3A_127 = arith.index_cast %add3A_126 : i32 to index
          %get3A_128 = arith.constant 0 : index
          %get3A_129 = tpu.vector_load %arg6[%get3A_127, %get3A_128] {strides = array<i32>} : memref<320x128xf32, #tpu.memory_space<vmem>>, vector<1x16xf32>,
          %get3A_130 = vector.shape_cast %get3A_129 : vector<1x16xf32> to vector<16xf32>
          %add3A_131 = arith.addf %get3A_124, %get3A_130 : vector<16xf32>
          %add3A_132 = arith.constant 2 : i32
          %add3A_133 = arith.addi %mul3A_121, %add3A_132 : i32
          %get3A_134 = arith.index_cast %add3A_133 : i32 to index
          %get3A_135 = arith.constant 0 : index
          %get3A_136 = tpu.vector_load %arg6[%get3A_134, %get3A_135] {strides = array<i32>} : memref<320x128xf32, #tpu.memory_space<vmem>>, vector<1x16xf32>,
          %get3A_137 = vector.shape_cast %get3A_136 : vector<1x16xf32> to vector<16xf32>
          %add3A_138 = arith.addf %add3A_131, %get3A_137 : vector<16xf32>
          %add3A_139 = arith.constant 3 : i32
          %add3A_140 = arith.addi %mul3A_121, %add3A_139 : i32
          %get3A_141 = arith.index_cast %add3A_140 : i32 to index
          %get3A_142 = arith.constant 0 : index
          %get3A_143 = tpu.vector_load %arg6[%get3A_141, %get3A_142] {strides = array<i32>} : memref<320x128xf32, #tpu.memory_space<vmem>>, vector<1x16xf32>,
          %get3A_144 = vector.shape_cast %get3A_143 : vector<1x16xf32> to vector<16xf32>
          %add3A_145 = arith.addf %add3A_138, %get3A_144 : vector<16xf32>
          %add3A_146 = arith.constant 4 : i32
          %add3A_147 = arith.addi %mul3A_121, %add3A_146 : i32
          %get3A_148 = arith.index_cast %add3A_147 : i32 to index
          %get3A_149 = arith.constant 0 : index
          %get3A_150 = tpu.vector_load %arg6[%get3A_148, %get3A_149] {strides = array<i32>} : memref<320x128xf32, #tpu.memory_space<vmem>>, vector<1x16xf32>,
          %get3A_151 = vector.shape_cast %get3A_150 : vector<1x16xf32> to vector<16xf32>
          %add3A_152 = arith.addf %add3A_145, %get3A_151 : vector<16xf32>
          %add3A_153 = arith.constant 5 : i32
          %add3A_154 = arith.addi %mul3A_121, %add3A_153 : i32
          %get3A_155 = arith.index_cast %add3A_154 : i32 to index
          %get3A_156 = arith.constant 0 : index
          %get3A_157 = tpu.vector_load %arg6[%get3A_155, %get3A_156] {strides = array<i32>} : memref<320x128xf32, #tpu.memory_space<vmem>>, vector<1x16xf32>,
          %get3A_158 = vector.shape_cast %get3A_157 : vector<1x16xf32> to vector<16xf32>
          %add3A_159 = arith.addf %add3A_152, %get3A_158 : vector<16xf32>
          %add3A_160 = arith.constant 6 : i32
          %add3A_161 = arith.addi %mul3A_121, %add3A_160 : i32
          %get3A_162 = arith.index_cast %add3A_161 : i32 to index
          %get3A_163 = arith.constant 0 : index
          %get3A_164 = tpu.vector_load %arg6[%get3A_162, %get3A_163] {strides = array<i32>} : memref<320x128xf32, #tpu.memory_space<vmem>>, vector<1x16xf32>,
          %get3A_165 = vector.shape_cast %get3A_164 : vector<1x16xf32> to vector<16xf32>
          %add3A_166 = arith.addf %add3A_159, %get3A_165 : vector<16xf32>
          %add3A_167 = arith.constant 7 : i32
          %add3A_168 = arith.addi %mul3A_121, %add3A_167 : i32
          %get3A_169 = arith.index_cast %add3A_168 : i32 to index
          %get3A_170 = arith.constant 0 : index
          %get3A_171 = tpu.vector_load %arg6[%get3A_169, %get3A_170] {strides = array<i32>} : memref<320x128xf32, #tpu.memory_space<vmem>>, vector<1x16xf32>,
          %get3A_172 = vector.shape_cast %get3A_171 : vector<1x16xf32> to vector<16xf32>
          %add3A_173 = arith.addf %add3A_166, %get3A_172 : vector<16xf32>
          %add3A_174 = arith.constant 8 : i32
          %add3A_175 = arith.addi %mul3A_121, %add3A_174 : i32
          %get3A_176 = arith.index_cast %add3A_175 : i32 to index
          %get3A_177 = arith.constant 0 : index
          %get3A_178 = tpu.vector_load %arg6[%get3A_176, %get3A_177] {strides = array<i32>} : memref<320x128xf32, #tpu.memory_space<vmem>>, vector<1x16xf32>,
          %get3A_179 = vector.shape_cast %get3A_178 : vector<1x16xf32> to vector<16xf32>
          %add3A_180 = arith.addf %add3A_173, %get3A_179 : vector<16xf32>
          %add3A_181 = arith.constant 9 : i32
          %add3A_182 = arith.addi %mul3A_121, %add3A_181 : i32
          %get3A_183 = arith.index_cast %add3A_182 : i32 to index
          %get3A_184 = arith.constant 0 : index
          %get3A_185 = tpu.vector_load %arg6[%get3A_183, %get3A_184] {strides = array<i32>} : memref<320x128xf32, #tpu.memory_space<vmem>>, vector<1x16xf32>,
          %get3A_186 = vector.shape_cast %get3A_185 : vector<1x16xf32> to vector<16xf32>
          %add3A_187 = arith.addf %add3A_180, %get3A_186 : vector<16xf32>
          %add3A_188 = arith.constant 10 : i32
          %add3A_189 = arith.addi %mul3A_121, %add3A_188 : i32
          %get3A_190 = arith.index_cast %add3A_189 : i32 to index
          %get3A_191 = arith.constant 0 : index
          %get3A_192 = tpu.vector_load %arg6[%get3A_190, %get3A_191] {strides = array<i32>} : memref<320x128xf32, #tpu.memory_space<vmem>>, vector<1x16xf32>,
          %get3A_193 = vector.shape_cast %get3A_192 : vector<1x16xf32> to vector<16xf32>
          %add3A_194 = arith.addf %add3A_187, %get3A_193 : vector<16xf32>
          %add3A_195 = arith.constant 11 : i32
          %add3A_196 = arith.addi %mul3A_121, %add3A_195 : i32
          %get3A_197 = arith.index_cast %add3A_196 : i32 to index
          %get3A_198 = arith.constant 0 : index
          %get3A_199 = tpu.vector_load %arg6[%get3A_197, %get3A_198] {strides = array<i32>} : memref<320x128xf32, #tpu.memory_space<vmem>>, vector<1x16xf32>,
          %get3A_200 = vector.shape_cast %get3A_199 : vector<1x16xf32> to vector<16xf32>
          %add3A_201 = arith.addf %add3A_194, %get3A_200 : vector<16xf32>
          %add3A_202 = arith.constant 12 : i32
          %add3A_203 = arith.addi %mul3A_121, %add3A_202 : i32
          %get3A_204 = arith.index_cast %add3A_203 : i32 to index
          %get3A_205 = arith.constant 0 : index
          %get3A_206 = tpu.vector_load %arg6[%get3A_204, %get3A_205] {strides = array<i32>} : memref<320x128xf32, #tpu.memory_space<vmem>>, vector<1x16xf32>,
          %get3A_207 = vector.shape_cast %get3A_206 : vector<1x16xf32> to vector<16xf32>
          %add3A_208 = arith.addf %add3A_201, %get3A_207 : vector<16xf32>
          %add3A_209 = arith.constant 13 : i32
          %add3A_210 = arith.addi %mul3A_121, %add3A_209 : i32
          %get3A_211 = arith.index_cast %add3A_210 : i32 to index
          %get3A_212 = arith.constant 0 : index
          %get3A_213 = tpu.vector_load %arg6[%get3A_211, %get3A_212] {strides = array<i32>} : memref<320x128xf32, #tpu.memory_space<vmem>>, vector<1x16xf32>,
          %get3A_214 = vector.shape_cast %get3A_213 : vector<1x16xf32> to vector<16xf32>
          %add3A_215 = arith.addf %add3A_208, %get3A_214 : vector<16xf32>
          %add3A_216 = arith.constant 14 : i32
          %add3A_217 = arith.addi %mul3A_121, %add3A_216 : i32
          %get3A_218 = arith.index_cast %add3A_217 : i32 to index
          %get3A_219 = arith.constant 0 : index
          %get3A_220 = tpu.vector_load %arg6[%get3A_218, %get3A_219] {strides = array<i32>} : memref<320x128xf32, #tpu.memory_space<vmem>>, vector<1x16xf32>,
          %get3A_221 = vector.shape_cast %get3A_220 : vector<1x16xf32> to vector<16xf32>
          %add3A_222 = arith.addf %add3A_215, %get3A_221 : vector<16xf32>
          %add3A_223 = arith.constant 15 : i32
          %add3A_224 = arith.addi %mul3A_121, %add3A_223 : i32
          %get3A_225 = arith.index_cast %add3A_224 : i32 to index
          %get3A_226 = arith.constant 0 : index
          %get3A_227 = tpu.vector_load %arg6[%get3A_225, %get3A_226] {strides = array<i32>} : memref<320x128xf32, #tpu.memory_space<vmem>>, vector<1x16xf32>,
          %get3A_228 = vector.shape_cast %get3A_227 : vector<1x16xf32> to vector<16xf32>
          %add3A_229 = arith.addf %add3A_222, %get3A_228 : vector<16xf32>
          %add3A_230 = arith.constant 16 : i32
          %add3A_231 = arith.addi %mul3A_121, %add3A_230 : i32
          %get3A_232 = arith.index_cast %add3A_231 : i32 to index
          %get3A_233 = arith.constant 0 : index
          %get3A_234 = tpu.vector_load %arg6[%get3A_232, %get3A_233] {strides = array<i32>} : memref<320x128xf32, #tpu.memory_space<vmem>>, vector<1x16xf32>,
          %get3A_235 = vector.shape_cast %get3A_234 : vector<1x16xf32> to vector<16xf32>
          %add3A_236 = arith.addf %add3A_229, %get3A_235 : vector<16xf32>
          %add3A_237 = arith.constant 17 : i32
          %add3A_238 = arith.addi %mul3A_121, %add3A_237 : i32
          %get3A_239 = arith.index_cast %add3A_238 : i32 to index
          %get3A_240 = arith.constant 0 : index
          %get3A_241 = tpu.vector_load %arg6[%get3A_239, %get3A_240] {strides = array<i32>} : memref<320x128xf32, #tpu.memory_space<vmem>>, vector<1x16xf32>,
          %get3A_242 = vector.shape_cast %get3A_241 : vector<1x16xf32> to vector<16xf32>
          %add3A_243 = arith.addf %add3A_236, %get3A_242 : vector<16xf32>
          %add3A_244 = arith.constant 18 : i32
          %add3A_245 = arith.addi %mul3A_121, %add3A_244 : i32
          %get3A_246 = arith.index_cast %add3A_245 : i32 to index
          %get3A_247 = arith.constant 0 : index
          %get3A_248 = tpu.vector_load %arg6[%get3A_246, %get3A_247] {strides = array<i32>} : memref<320x128xf32, #tpu.memory_space<vmem>>, vector<1x16xf32>,
          %get3A_249 = vector.shape_cast %get3A_248 : vector<1x16xf32> to vector<16xf32>
          %add3A_250 = arith.addf %add3A_243, %get3A_249 : vector<16xf32>
          %add3A_251 = arith.constant 19 : i32
          %add3A_252 = arith.addi %mul3A_121, %add3A_251 : i32
          %get3A_253 = arith.index_cast %add3A_252 : i32 to index
          %get3A_254 = arith.constant 0 : index
          %get3A_255 = tpu.vector_load %arg6[%get3A_253, %get3A_254] {strides = array<i32>} : memref<320x128xf32, #tpu.memory_space<vmem>>, vector<1x16xf32>,
          %get3A_256 = vector.shape_cast %get3A_255 : vector<1x16xf32> to vector<16xf32>
          %add3A_257 = arith.addf %add3A_250, %get3A_256 : vector<16xf32>
          %swap3A = arith.index_cast %scan3A_119 : i32 to index
          %swap3A_258 = arith.constant 0 : index
          %swap3A_259 = tpu.vector_load %arg7[%swap3A, %swap3A_258] {strides = array<i32>} : memref<16x128xf32, #tpu.memory_space<vmem>>, vector<1x16xf32>,
          %swap3A_260 = vector.shape_cast %swap3A_259 : vector<1x16xf32> to vector<16xf32>
          %swap3A_261 = vector.shape_cast %add3A_257 : vector<16xf32> to vector<1x16xf32>
          tpu.vector_store %arg7[%swap3A, %swap3A_258], %swap3A_261 {strides = array<i32>} : memref<16x128xf32, #tpu.memory_space<vmem>>, vector<1x16xf32>,
          %get3A_262 = arith.index_cast %mul3A_121 : i32 to index
          %get3A_263 = arith.constant 16 : index
          %get3A_264 = tpu.vector_load %arg6[%get3A_262, %get3A_263] {strides = array<i32>} : memref<320x128xf32, #tpu.memory_space<vmem>>, vector<1x16xf32>,
          %get3A_265 = vector.shape_cast %get3A_264 : vector<1x16xf32> to vector<16xf32>
          %add3A_266 = arith.constant 1 : i32
          %add3A_267 = arith.addi %mul3A_121, %add3A_266 : i32
          %get3A_268 = arith.index_cast %add3A_267 : i32 to index
          %get3A_269 = arith.constant 16 : index
          %get3A_270 = tpu.vector_load %arg6[%get3A_268, %get3A_269] {strides = array<i32>} : memref<320x128xf32, #tpu.memory_space<vmem>>, vector<1x16xf32>,
          %get3A_271 = vector.shape_cast %get3A_270 : vector<1x16xf32> to vector<16xf32>
          %add3A_272 = arith.addf %get3A_265, %get3A_271 : vector<16xf32>
          %add3A_273 = arith.constant 2 : i32
          %add3A_274 = arith.addi %mul3A_121, %add3A_273 : i32
          %get3A_275 = arith.index_cast %add3A_274 : i32 to index
          %get3A_276 = arith.constant 16 : index
          %get3A_277 = tpu.vector_load %arg6[%get3A_275, %get3A_276] {strides = array<i32>} : memref<320x128xf32, #tpu.memory_space<vmem>>, vector<1x16xf32>,
          %get3A_278 = vector.shape_cast %get3A_277 : vector<1x16xf32> to vector<16xf32>
          %add3A_279 = arith.addf %add3A_272, %get3A_278 : vector<16xf32>
          %add3A_280 = arith.constant 3 : i32
          %add3A_281 = arith.addi %mul3A_121, %add3A_280 : i32
          %get3A_282 = arith.index_cast %add3A_281 : i32 to index
          %get3A_283 = arith.constant 16 : index
          %get3A_284 = tpu.vector_load %arg6[%get3A_282, %get3A_283] {strides = array<i32>} : memref<320x128xf32, #tpu.memory_space<vmem>>, vector<1x16xf32>,
          %get3A_285 = vector.shape_cast %get3A_284 : vector<1x16xf32> to vector<16xf32>
          %add3A_286 = arith.addf %add3A_279, %get3A_285 : vector<16xf32>
          %add3A_287 = arith.constant 4 : i32
          %add3A_288 = arith.addi %mul3A_121, %add3A_287 : i32
          %get3A_289 = arith.index_cast %add3A_288 : i32 to index
          %get3A_290 = arith.constant 16 : index
          %get3A_291 = tpu.vector_load %arg6[%get3A_289, %get3A_290] {strides = array<i32>} : memref<320x128xf32, #tpu.memory_space<vmem>>, vector<1x16xf32>,
          %get3A_292 = vector.shape_cast %get3A_291 : vector<1x16xf32> to vector<16xf32>
          %add3A_293 = arith.addf %add3A_286, %get3A_292 : vector<16xf32>
          %add3A_294 = arith.constant 5 : i32
          %add3A_295 = arith.addi %mul3A_121, %add3A_294 : i32
          %get3A_296 = arith.index_cast %add3A_295 : i32 to index
          %get3A_297 = arith.constant 16 : index
          %get3A_298 = tpu.vector_load %arg6[%get3A_296, %get3A_297] {strides = array<i32>} : memref<320x128xf32, #tpu.memory_space<vmem>>, vector<1x16xf32>,
          %get3A_299 = vector.shape_cast %get3A_298 : vector<1x16xf32> to vector<16xf32>
          %add3A_300 = arith.addf %add3A_293, %get3A_299 : vector<16xf32>
          %add3A_301 = arith.constant 6 : i32
          %add3A_302 = arith.addi %mul3A_121, %add3A_301 : i32
          %get3A_303 = arith.index_cast %add3A_302 : i32 to index
          %get3A_304 = arith.constant 16 : index
          %get3A_305 = tpu.vector_load %arg6[%get3A_303, %get3A_304] {strides = array<i32>} : memref<320x128xf32, #tpu.memory_space<vmem>>, vector<1x16xf32>,
          %get3A_306 = vector.shape_cast %get3A_305 : vector<1x16xf32> to vector<16xf32>
          %add3A_307 = arith.addf %add3A_300, %get3A_306 : vector<16xf32>
          %add3A_308 = arith.constant 7 : i32
          %add3A_309 = arith.addi %mul3A_121, %add3A_308 : i32
          %get3A_310 = arith.index_cast %add3A_309 : i32 to index
          %get3A_311 = arith.constant 16 : index
          %get3A_312 = tpu.vector_load %arg6[%get3A_310, %get3A_311] {strides = array<i32>} : memref<320x128xf32, #tpu.memory_space<vmem>>, vector<1x16xf32>,
          %get3A_313 = vector.shape_cast %get3A_312 : vector<1x16xf32> to vector<16xf32>
          %add3A_314 = arith.addf %add3A_307, %get3A_313 : vector<16xf32>
          %add3A_315 = arith.constant 8 : i32
          %add3A_316 = arith.addi %mul3A_121, %add3A_315 : i32
          %get3A_317 = arith.index_cast %add3A_316 : i32 to index
          %get3A_318 = arith.constant 16 : index
          %get3A_319 = tpu.vector_load %arg6[%get3A_317, %get3A_318] {strides = array<i32>} : memref<320x128xf32, #tpu.memory_space<vmem>>, vector<1x16xf32>,
          %get3A_320 = vector.shape_cast %get3A_319 : vector<1x16xf32> to vector<16xf32>
          %add3A_321 = arith.addf %add3A_314, %get3A_320 : vector<16xf32>
          %add3A_322 = arith.constant 9 : i32
          %add3A_323 = arith.addi %mul3A_121, %add3A_322 : i32
          %get3A_324 = arith.index_cast %add3A_323 : i32 to index
          %get3A_325 = arith.constant 16 : index
          %get3A_326 = tpu.vector_load %arg6[%get3A_324, %get3A_325] {strides = array<i32>} : memref<320x128xf32, #tpu.memory_space<vmem>>, vector<1x16xf32>,
          %get3A_327 = vector.shape_cast %get3A_326 : vector<1x16xf32> to vector<16xf32>
          %add3A_328 = arith.addf %add3A_321, %get3A_327 : vector<16xf32>
          %add3A_329 = arith.constant 10 : i32
          %add3A_330 = arith.addi %mul3A_121, %add3A_329 : i32
          %get3A_331 = arith.index_cast %add3A_330 : i32 to index
          %get3A_332 = arith.constant 16 : index
          %get3A_333 = tpu.vector_load %arg6[%get3A_331, %get3A_332] {strides = array<i32>} : memref<320x128xf32, #tpu.memory_space<vmem>>, vector<1x16xf32>,
          %get3A_334 = vector.shape_cast %get3A_333 : vector<1x16xf32> to vector<16xf32>
          %add3A_335 = arith.addf %add3A_328, %get3A_334 : vector<16xf32>
          %add3A_336 = arith.constant 11 : i32
          %add3A_337 = arith.addi %mul3A_121, %add3A_336 : i32
          %get3A_338 = arith.index_cast %add3A_337 : i32 to index
          %get3A_339 = arith.constant 16 : index
          %get3A_340 = tpu.vector_load %arg6[%get3A_338, %get3A_339] {strides = array<i32>} : memref<320x128xf32, #tpu.memory_space<vmem>>, vector<1x16xf32>,
          %get3A_341 = vector.shape_cast %get3A_340 : vector<1x16xf32> to vector<16xf32>
          %add3A_342 = arith.addf %add3A_335, %get3A_341 : vector<16xf32>
          %add3A_343 = arith.constant 12 : i32
          %add3A_344 = arith.addi %mul3A_121, %add3A_343 : i32
          %get3A_345 = arith.index_cast %add3A_344 : i32 to index
          %get3A_346 = arith.constant 16 : index
          %get3A_347 = tpu.vector_load %arg6[%get3A_345, %get3A_346] {strides = array<i32>} : memref<320x128xf32, #tpu.memory_space<vmem>>, vector<1x16xf32>,
          %get3A_348 = vector.shape_cast %get3A_347 : vector<1x16xf32> to vector<16xf32>
          %add3A_349 = arith.addf %add3A_342, %get3A_348 : vector<16xf32>
          %add3A_350 = arith.constant 13 : i32
          %add3A_351 = arith.addi %mul3A_121, %add3A_350 : i32
          %get3A_352 = arith.index_cast %add3A_351 : i32 to index
          %get3A_353 = arith.constant 16 : index
          %get3A_354 = tpu.vector_load %arg6[%get3A_352, %get3A_353] {strides = array<i32>} : memref<320x128xf32, #tpu.memory_space<vmem>>, vector<1x16xf32>,
          %get3A_355 = vector.shape_cast %get3A_354 : vector<1x16xf32> to vector<16xf32>
          %add3A_356 = arith.addf %add3A_349, %get3A_355 : vector<16xf32>
          %add3A_357 = arith.constant 14 : i32
          %add3A_358 = arith.addi %mul3A_121, %add3A_357 : i32
          %get3A_359 = arith.index_cast %add3A_358 : i32 to index
          %get3A_360 = arith.constant 16 : index
          %get3A_361 = tpu.vector_load %arg6[%get3A_359, %get3A_360] {strides = array<i32>} : memref<320x128xf32, #tpu.memory_space<vmem>>, vector<1x16xf32>,
          %get3A_362 = vector.shape_cast %get3A_361 : vector<1x16xf32> to vector<16xf32>
          %add3A_363 = arith.addf %add3A_356, %get3A_362 : vector<16xf32>
          %add3A_364 = arith.constant 15 : i32
          %add3A_365 = arith.addi %mul3A_121, %add3A_364 : i32
          %get3A_366 = arith.index_cast %add3A_365 : i32 to index
          %get3A_367 = arith.constant 16 : index
          %get3A_368 = tpu.vector_load %arg6[%get3A_366, %get3A_367] {strides = array<i32>} : memref<320x128xf32, #tpu.memory_space<vmem>>, vector<1x16xf32>,
          %get3A_369 = vector.shape_cast %get3A_368 : vector<1x16xf32> to vector<16xf32>
          %add3A_370 = arith.addf %add3A_363, %get3A_369 : vector<16xf32>
          %add3A_371 = arith.constant 16 : i32
          %add3A_372 = arith.addi %mul3A_121, %add3A_371 : i32
          %get3A_373 = arith.index_cast %add3A_372 : i32 to index
          %get3A_374 = arith.constant 16 : index
          %get3A_375 = tpu.vector_load %arg6[%get3A_373, %get3A_374] {strides = array<i32>} : memref<320x128xf32, #tpu.memory_space<vmem>>, vector<1x16xf32>,
          %get3A_376 = vector.shape_cast %get3A_375 : vector<1x16xf32> to vector<16xf32>
          %add3A_377 = arith.addf %add3A_370, %get3A_376 : vector<16xf32>
          %add3A_378 = arith.constant 17 : i32
          %add3A_379 = arith.addi %mul3A_121, %add3A_378 : i32
          %get3A_380 = arith.index_cast %add3A_379 : i32 to index
          %get3A_381 = arith.constant 16 : index
          %get3A_382 = tpu.vector_load %arg6[%get3A_380, %get3A_381] {strides = array<i32>} : memref<320x128xf32, #tpu.memory_space<vmem>>, vector<1x16xf32>,
          %get3A_383 = vector.shape_cast %get3A_382 : vector<1x16xf32> to vector<16xf32>
          %add3A_384 = arith.addf %add3A_377, %get3A_383 : vector<16xf32>
          %add3A_385 = arith.constant 18 : i32
          %add3A_386 = arith.addi %mul3A_121, %add3A_385 : i32
          %get3A_387 = arith.index_cast %add3A_386 : i32 to index
          %get3A_388 = arith.constant 16 : index
          %get3A_389 = tpu.vector_load %arg6[%get3A_387, %get3A_388] {strides = array<i32>} : memref<320x128xf32, #tpu.memory_space<vmem>>, vector<1x16xf32>,
          %get3A_390 = vector.shape_cast %get3A_389 : vector<1x16xf32> to vector<16xf32>
          %add3A_391 = arith.addf %add3A_384, %get3A_390 : vector<16xf32>
          %add3A_392 = arith.constant 19 : i32
          %add3A_393 = arith.addi %mul3A_121, %add3A_392 : i32
          %get3A_394 = arith.index_cast %add3A_393 : i32 to index
          %get3A_395 = arith.constant 16 : index
          %get3A_396 = tpu.vector_load %arg6[%get3A_394, %get3A_395] {strides = array<i32>} : memref<320x128xf32, #tpu.memory_space<vmem>>, vector<1x16xf32>,
          %get3A_397 = vector.shape_cast %get3A_396 : vector<1x16xf32> to vector<16xf32>
          %add3A_398 = arith.addf %add3A_391, %get3A_397 : vector<16xf32>
          %swap3A_399 = arith.index_cast %scan3A_119 : i32 to index
          %swap3A_400 = arith.constant 16 : index
          %swap3A_401 = tpu.vector_load %arg7[%swap3A_399, %swap3A_400] {strides = array<i32>} : memref<16x128xf32, #tpu.memory_space<vmem>>, vector<1x16xf32>,
          %swap3A_402 = vector.shape_cast %swap3A_401 : vector<1x16xf32> to vector<16xf32>
          %swap3A_403 = vector.shape_cast %add3A_398 : vector<16xf32> to vector<1x16xf32>
          tpu.vector_store %arg7[%swap3A_399, %swap3A_400], %swap3A_403 {strides = array<i32>} : memref<16x128xf32, #tpu.memory_space<vmem>>, vector<1x16xf32>,
          %get3A_404 = arith.index_cast %mul3A_121 : i32 to index
          %get3A_405 = arith.constant 32 : index
          %get3A_406 = tpu.vector_load %arg6[%get3A_404, %get3A_405] {strides = array<i32>} : memref<320x128xf32, #tpu.memory_space<vmem>>, vector<1x16xf32>,
          %get3A_407 = vector.shape_cast %get3A_406 : vector<1x16xf32> to vector<16xf32>
          %add3A_408 = arith.constant 1 : i32
          %add3A_409 = arith.addi %mul3A_121, %add3A_408 : i32
          %get3A_410 = arith.index_cast %add3A_409 : i32 to index
          %get3A_411 = arith.constant 32 : index
          %get3A_412 = tpu.vector_load %arg6[%get3A_410, %get3A_411] {strides = array<i32>} : memref<320x128xf32, #tpu.memory_space<vmem>>, vector<1x16xf32>,
          %get3A_413 = vector.shape_cast %get3A_412 : vector<1x16xf32> to vector<16xf32>
          %add3A_414 = arith.addf %get3A_407, %get3A_413 : vector<16xf32>
          %add3A_415 = arith.constant 2 : i32
          %add3A_416 = arith.addi %mul3A_121, %add3A_415 : i32
          %get3A_417 = arith.index_cast %add3A_416 : i32 to index
          %get3A_418 = arith.constant 32 : index
          %get3A_419 = tpu.vector_load %arg6[%get3A_417, %get3A_418] {strides = array<i32>} : memref<320x128xf32, #tpu.memory_space<vmem>>, vector<1x16xf32>,
          %get3A_420 = vector.shape_cast %get3A_419 : vector<1x16xf32> to vector<16xf32>
          %add3A_421 = arith.addf %add3A_414, %get3A_420 : vector<16xf32>
          %add3A_422 = arith.constant 3 : i32
          %add3A_423 = arith.addi %mul3A_121, %add3A_422 : i32
          %get3A_424 = arith.index_cast %add3A_423 : i32 to index
          %get3A_425 = arith.constant 32 : index
          %get3A_426 = tpu.vector_load %arg6[%get3A_424, %get3A_425] {strides = array<i32>} : memref<320x128xf32, #tpu.memory_space<vmem>>, vector<1x16xf32>,
          %get3A_427 = vector.shape_cast %get3A_426 : vector<1x16xf32> to vector<16xf32>
          %add3A_428 = arith.addf %add3A_421, %get3A_427 : vector<16xf32>
          %add3A_429 = arith.constant 4 : i32
          %add3A_430 = arith.addi %mul3A_121, %add3A_429 : i32
          %get3A_431 = arith.index_cast %add3A_430 : i32 to index
          %get3A_432 = arith.constant 32 : index
          %get3A_433 = tpu.vector_load %arg6[%get3A_431, %get3A_432] {strides = array<i32>} : memref<320x128xf32, #tpu.memory_space<vmem>>, vector<1x16xf32>,
          %get3A_434 = vector.shape_cast %get3A_433 : vector<1x16xf32> to vector<16xf32>
          %add3A_435 = arith.addf %add3A_428, %get3A_434 : vector<16xf32>
          %add3A_436 = arith.constant 5 : i32
          %add3A_437 = arith.addi %mul3A_121, %add3A_436 : i32
          %get3A_438 = arith.index_cast %add3A_437 : i32 to index
          %get3A_439 = arith.constant 32 : index
          %get3A_440 = tpu.vector_load %arg6[%get3A_438, %get3A_439] {strides = array<i32>} : memref<320x128xf32, #tpu.memory_space<vmem>>, vector<1x16xf32>,
          %get3A_441 = vector.shape_cast %get3A_440 : vector<1x16xf32> to vector<16xf32>
          %add3A_442 = arith.addf %add3A_435, %get3A_441 : vector<16xf32>
          %add3A_443 = arith.constant 6 : i32
          %add3A_444 = arith.addi %mul3A_121, %add3A_443 : i32
          %get3A_445 = arith.index_cast %add3A_444 : i32 to index
          %get3A_446 = arith.constant 32 : index
          %get3A_447 = tpu.vector_load %arg6[%get3A_445, %get3A_446] {strides = array<i32>} : memref<320x128xf32, #tpu.memory_space<vmem>>, vector<1x16xf32>,
          %get3A_448 = vector.shape_cast %get3A_447 : vector<1x16xf32> to vector<16xf32>
          %add3A_449 = arith.addf %add3A_442, %get3A_448 : vector<16xf32>
          %add3A_450 = arith.constant 7 : i32
          %add3A_451 = arith.addi %mul3A_121, %add3A_450 : i32
          %get3A_452 = arith.index_cast %add3A_451 : i32 to index
          %get3A_453 = arith.constant 32 : index
          %get3A_454 = tpu.vector_load %arg6[%get3A_452, %get3A_453] {strides = array<i32>} : memref<320x128xf32, #tpu.memory_space<vmem>>, vector<1x16xf32>,
          %get3A_455 = vector.shape_cast %get3A_454 : vector<1x16xf32> to vector<16xf32>
          %add3A_456 = arith.addf %add3A_449, %get3A_455 : vector<16xf32>
          %add3A_457 = arith.constant 8 : i32
          %add3A_458 = arith.addi %mul3A_121, %add3A_457 : i32
          %get3A_459 = arith.index_cast %add3A_458 : i32 to index
          %get3A_460 = arith.constant 32 : index
          %get3A_461 = tpu.vector_load %arg6[%get3A_459, %get3A_460] {strides = array<i32>} : memref<320x128xf32, #tpu.memory_space<vmem>>, vector<1x16xf32>,
          %get3A_462 = vector.shape_cast %get3A_461 : vector<1x16xf32> to vector<16xf32>
          %add3A_463 = arith.addf %add3A_456, %get3A_462 : vector<16xf32>
          %add3A_464 = arith.constant 9 : i32
          %add3A_465 = arith.addi %mul3A_121, %add3A_464 : i32
          %get3A_466 = arith.index_cast %add3A_465 : i32 to index
          %get3A_467 = arith.constant 32 : index
          %get3A_468 = tpu.vector_load %arg6[%get3A_466, %get3A_467] {strides = array<i32>} : memref<320x128xf32, #tpu.memory_space<vmem>>, vector<1x16xf32>,
          %get3A_469 = vector.shape_cast %get3A_468 : vector<1x16xf32> to vector<16xf32>
          %add3A_470 = arith.addf %add3A_463, %get3A_469 : vector<16xf32>
          %add3A_471 = arith.constant 10 : i32
          %add3A_472 = arith.addi %mul3A_121, %add3A_471 : i32
          %get3A_473 = arith.index_cast %add3A_472 : i32 to index
          %get3A_474 = arith.constant 32 : index
          %get3A_475 = tpu.vector_load %arg6[%get3A_473, %get3A_474] {strides = array<i32>} : memref<320x128xf32, #tpu.memory_space<vmem>>, vector<1x16xf32>,
          %get3A_476 = vector.shape_cast %get3A_475 : vector<1x16xf32> to vector<16xf32>
          %add3A_477 = arith.addf %add3A_470, %get3A_476 : vector<16xf32>
          %add3A_478 = arith.constant 11 : i32
          %add3A_479 = arith.addi %mul3A_121, %add3A_478 : i32
          %get3A_480 = arith.index_cast %add3A_479 : i32 to index
          %get3A_481 = arith.constant 32 : index
          %get3A_482 = tpu.vector_load %arg6[%get3A_480, %get3A_481] {strides = array<i32>} : memref<320x128xf32, #tpu.memory_space<vmem>>, vector<1x16xf32>,
          %get3A_483 = vector.shape_cast %get3A_482 : vector<1x16xf32> to vector<16xf32>
          %add3A_484 = arith.addf %add3A_477, %get3A_483 : vector<16xf32>
          %add3A_485 = arith.constant 12 : i32
          %add3A_486 = arith.addi %mul3A_121, %add3A_485 : i32
          %get3A_487 = arith.index_cast %add3A_486 : i32 to index
          %get3A_488 = arith.constant 32 : index
          %get3A_489 = tpu.vector_load %arg6[%get3A_487, %get3A_488] {strides = array<i32>} : memref<320x128xf32, #tpu.memory_space<vmem>>, vector<1x16xf32>,
          %get3A_490 = vector.shape_cast %get3A_489 : vector<1x16xf32> to vector<16xf32>
          %add3A_491 = arith.addf %add3A_484, %get3A_490 : vector<16xf32>
          %add3A_492 = arith.constant 13 : i32
          %add3A_493 = arith.addi %mul3A_121, %add3A_492 : i32
          %get3A_494 = arith.index_cast %add3A_493 : i32 to index
          %get3A_495 = arith.constant 32 : index
          %get3A_496 = tpu.vector_load %arg6[%get3A_494, %get3A_495] {strides = array<i32>} : memref<320x128xf32, #tpu.memory_space<vmem>>, vector<1x16xf32>,
          %get3A_497 = vector.shape_cast %get3A_496 : vector<1x16xf32> to vector<16xf32>
          %add3A_498 = arith.addf %add3A_491, %get3A_497 : vector<16xf32>
          %add3A_499 = arith.constant 14 : i32
          %add3A_500 = arith.addi %mul3A_121, %add3A_499 : i32
          %get3A_501 = arith.index_cast %add3A_500 : i32 to index
          %get3A_502 = arith.constant 32 : index
          %get3A_503 = tpu.vector_load %arg6[%get3A_501, %get3A_502] {strides = array<i32>} : memref<320x128xf32, #tpu.memory_space<vmem>>, vector<1x16xf32>,
          %get3A_504 = vector.shape_cast %get3A_503 : vector<1x16xf32> to vector<16xf32>
          %add3A_505 = arith.addf %add3A_498, %get3A_504 : vector<16xf32>
          %add3A_506 = arith.constant 15 : i32
          %add3A_507 = arith.addi %mul3A_121, %add3A_506 : i32
          %get3A_508 = arith.index_cast %add3A_507 : i32 to index
          %get3A_509 = arith.constant 32 : index
          %get3A_510 = tpu.vector_load %arg6[%get3A_508, %get3A_509] {strides = array<i32>} : memref<320x128xf32, #tpu.memory_space<vmem>>, vector<1x16xf32>,
          %get3A_511 = vector.shape_cast %get3A_510 : vector<1x16xf32> to vector<16xf32>
          %add3A_512 = arith.addf %add3A_505, %get3A_511 : vector<16xf32>
          %add3A_513 = arith.constant 16 : i32
          %add3A_514 = arith.addi %mul3A_121, %add3A_513 : i32
          %get3A_515 = arith.index_cast %add3A_514 : i32 to index
          %get3A_516 = arith.constant 32 : index
          %get3A_517 = tpu.vector_load %arg6[%get3A_515, %get3A_516] {strides = array<i32>} : memref<320x128xf32, #tpu.memory_space<vmem>>, vector<1x16xf32>,
          %get3A_518 = vector.shape_cast %get3A_517 : vector<1x16xf32> to vector<16xf32>
          %add3A_519 = arith.addf %add3A_512, %get3A_518 : vector<16xf32>
          %add3A_520 = arith.constant 17 : i32
          %add3A_521 = arith.addi %mul3A_121, %add3A_520 : i32
          %get3A_522 = arith.index_cast %add3A_521 : i32 to index
          %get3A_523 = arith.constant 32 : index
          %get3A_524 = tpu.vector_load %arg6[%get3A_522, %get3A_523] {strides = array<i32>} : memref<320x128xf32, #tpu.memory_space<vmem>>, vector<1x16xf32>,
          %get3A_525 = vector.shape_cast %get3A_524 : vector<1x16xf32> to vector<16xf32>
          %add3A_526 = arith.addf %add3A_519, %get3A_525 : vector<16xf32>
          %add3A_527 = arith.constant 18 : i32
          %add3A_528 = arith.addi %mul3A_121, %add3A_527 : i32
          %get3A_529 = arith.index_cast %add3A_528 : i32 to index
          %get3A_530 = arith.constant 32 : index
          %get3A_531 = tpu.vector_load %arg6[%get3A_529, %get3A_530] {strides = array<i32>} : memref<320x128xf32, #tpu.memory_space<vmem>>, vector<1x16xf32>,
          %get3A_532 = vector.shape_cast %get3A_531 : vector<1x16xf32> to vector<16xf32>
          %add3A_533 = arith.addf %add3A_526, %get3A_532 : vector<16xf32>
          %add3A_534 = arith.constant 19 : i32
          %add3A_535 = arith.addi %mul3A_121, %add3A_534 : i32
          %get3A_536 = arith.index_cast %add3A_535 : i32 to index
          %get3A_537 = arith.constant 32 : index
          %get3A_538 = tpu.vector_load %arg6[%get3A_536, %get3A_537] {strides = array<i32>} : memref<320x128xf32, #tpu.memory_space<vmem>>, vector<1x16xf32>,
          %get3A_539 = vector.shape_cast %get3A_538 : vector<1x16xf32> to vector<16xf32>
          %add3A_540 = arith.addf %add3A_533, %get3A_539 : vector<16xf32>
          %swap3A_541 = arith.index_cast %scan3A_119 : i32 to index
          %swap3A_542 = arith.constant 32 : index
          %swap3A_543 = tpu.vector_load %arg7[%swap3A_541, %swap3A_542] {strides = array<i32>} : memref<16x128xf32, #tpu.memory_space<vmem>>, vector<1x16xf32>,
          %swap3A_544 = vector.shape_cast %swap3A_543 : vector<1x16xf32> to vector<16xf32>
          %swap3A_545 = vector.shape_cast %add3A_540 : vector<16xf32> to vector<1x16xf32>
          tpu.vector_store %arg7[%swap3A_541, %swap3A_542], %swap3A_545 {strides = array<i32>} : memref<16x128xf32, #tpu.memory_space<vmem>>, vector<1x16xf32>,
          %get3A_546 = arith.index_cast %mul3A_121 : i32 to index
          %get3A_547 = arith.constant 48 : index
          %get3A_548 = tpu.vector_load %arg6[%get3A_546, %get3A_547] {strides = array<i32>} : memref<320x128xf32, #tpu.memory_space<vmem>>, vector<1x16xf32>,
          %get3A_549 = vector.shape_cast %get3A_548 : vector<1x16xf32> to vector<16xf32>
          %add3A_550 = arith.constant 1 : i32
          %add3A_551 = arith.addi %mul3A_121, %add3A_550 : i32
          %get3A_552 = arith.index_cast %add3A_551 : i32 to index
          %get3A_553 = arith.constant 48 : index
          %get3A_554 = tpu.vector_load %arg6[%get3A_552, %get3A_553] {strides = array<i32>} : memref<320x128xf32, #tpu.memory_space<vmem>>, vector<1x16xf32>,
          %get3A_555 = vector.shape_cast %get3A_554 : vector<1x16xf32> to vector<16xf32>
          %add3A_556 = arith.addf %get3A_549, %get3A_555 : vector<16xf32>
          %add3A_557 = arith.constant 2 : i32
          %add3A_558 = arith.addi %mul3A_121, %add3A_557 : i32
          %get3A_559 = arith.index_cast %add3A_558 : i32 to index
          %get3A_560 = arith.constant 48 : index
          %get3A_561 = tpu.vector_load %arg6[%get3A_559, %get3A_560] {strides = array<i32>} : memref<320x128xf32, #tpu.memory_space<vmem>>, vector<1x16xf32>,
          %get3A_562 = vector.shape_cast %get3A_561 : vector<1x16xf32> to vector<16xf32>
          %add3A_563 = arith.addf %add3A_556, %get3A_562 : vector<16xf32>
          %add3A_564 = arith.constant 3 : i32
          %add3A_565 = arith.addi %mul3A_121, %add3A_564 : i32
          %get3A_566 = arith.index_cast %add3A_565 : i32 to index
          %get3A_567 = arith.constant 48 : index
          %get3A_568 = tpu.vector_load %arg6[%get3A_566, %get3A_567] {strides = array<i32>} : memref<320x128xf32, #tpu.memory_space<vmem>>, vector<1x16xf32>,
          %get3A_569 = vector.shape_cast %get3A_568 : vector<1x16xf32> to vector<16xf32>
          %add3A_570 = arith.addf %add3A_563, %get3A_569 : vector<16xf32>
          %add3A_571 = arith.constant 4 : i32
          %add3A_572 = arith.addi %mul3A_121, %add3A_571 : i32
          %get3A_573 = arith.index_cast %add3A_572 : i32 to index
          %get3A_574 = arith.constant 48 : index
          %get3A_575 = tpu.vector_load %arg6[%get3A_573, %get3A_574] {strides = array<i32>} : memref<320x128xf32, #tpu.memory_space<vmem>>, vector<1x16xf32>,
          %get3A_576 = vector.shape_cast %get3A_575 : vector<1x16xf32> to vector<16xf32>
          %add3A_577 = arith.addf %add3A_570, %get3A_576 : vector<16xf32>
          %add3A_578 = arith.constant 5 : i32
          %add3A_579 = arith.addi %mul3A_121, %add3A_578 : i32
          %get3A_580 = arith.index_cast %add3A_579 : i32 to index
          %get3A_581 = arith.constant 48 : index
          %get3A_582 = tpu.vector_load %arg6[%get3A_580, %get3A_581] {strides = array<i32>} : memref<320x128xf32, #tpu.memory_space<vmem>>, vector<1x16xf32>,
          %get3A_583 = vector.shape_cast %get3A_582 : vector<1x16xf32> to vector<16xf32>
          %add3A_584 = arith.addf %add3A_577, %get3A_583 : vector<16xf32>
          %add3A_585 = arith.constant 6 : i32
          %add3A_586 = arith.addi %mul3A_121, %add3A_585 : i32
          %get3A_587 = arith.index_cast %add3A_586 : i32 to index
          %get3A_588 = arith.constant 48 : index
          %get3A_589 = tpu.vector_load %arg6[%get3A_587, %get3A_588] {strides = array<i32>} : memref<320x128xf32, #tpu.memory_space<vmem>>, vector<1x16xf32>,
          %get3A_590 = vector.shape_cast %get3A_589 : vector<1x16xf32> to vector<16xf32>
          %add3A_591 = arith.addf %add3A_584, %get3A_590 : vector<16xf32>
          %add3A_592 = arith.constant 7 : i32
          %add3A_593 = arith.addi %mul3A_121, %add3A_592 : i32
          %get3A_594 = arith.index_cast %add3A_593 : i32 to index
          %get3A_595 = arith.constant 48 : index
          %get3A_596 = tpu.vector_load %arg6[%get3A_594, %get3A_595] {strides = array<i32>} : memref<320x128xf32, #tpu.memory_space<vmem>>, vector<1x16xf32>,
          %get3A_597 = vector.shape_cast %get3A_596 : vector<1x16xf32> to vector<16xf32>
          %add3A_598 = arith.addf %add3A_591, %get3A_597 : vector<16xf32>
          %add3A_599 = arith.constant 8 : i32
          %add3A_600 = arith.addi %mul3A_121, %add3A_599 : i32
          %get3A_601 = arith.index_cast %add3A_600 : i32 to index
          %get3A_602 = arith.constant 48 : index
          %get3A_603 = tpu.vector_load %arg6[%get3A_601, %get3A_602] {strides = array<i32>} : memref<320x128xf32, #tpu.memory_space<vmem>>, vector<1x16xf32>,
          %get3A_604 = vector.shape_cast %get3A_603 : vector<1x16xf32> to vector<16xf32>
          %add3A_605 = arith.addf %add3A_598, %get3A_604 : vector<16xf32>
          %add3A_606 = arith.constant 9 : i32
          %add3A_607 = arith.addi %mul3A_121, %add3A_606 : i32
          %get3A_608 = arith.index_cast %add3A_607 : i32 to index
          %get3A_609 = arith.constant 48 : index
          %get3A_610 = tpu.vector_load %arg6[%get3A_608, %get3A_609] {strides = array<i32>} : memref<320x128xf32, #tpu.memory_space<vmem>>, vector<1x16xf32>,
          %get3A_611 = vector.shape_cast %get3A_610 : vector<1x16xf32> to vector<16xf32>
          %add3A_612 = arith.addf %add3A_605, %get3A_611 : vector<16xf32>
          %add3A_613 = arith.constant 10 : i32
          %add3A_614 = arith.addi %mul3A_121, %add3A_613 : i32
          %get3A_615 = arith.index_cast %add3A_614 : i32 to index
          %get3A_616 = arith.constant 48 : index
          %get3A_617 = tpu.vector_load %arg6[%get3A_615, %get3A_616] {strides = array<i32>} : memref<320x128xf32, #tpu.memory_space<vmem>>, vector<1x16xf32>,
          %get3A_618 = vector.shape_cast %get3A_617 : vector<1x16xf32> to vector<16xf32>
          %add3A_619 = arith.addf %add3A_612, %get3A_618 : vector<16xf32>
          %add3A_620 = arith.constant 11 : i32
          %add3A_621 = arith.addi %mul3A_121, %add3A_620 : i32
          %get3A_622 = arith.index_cast %add3A_621 : i32 to index
          %get3A_623 = arith.constant 48 : index
          %get3A_624 = tpu.vector_load %arg6[%get3A_622, %get3A_623] {strides = array<i32>} : memref<320x128xf32, #tpu.memory_space<vmem>>, vector<1x16xf32>,
          %get3A_625 = vector.shape_cast %get3A_624 : vector<1x16xf32> to vector<16xf32>
          %add3A_626 = arith.addf %add3A_619, %get3A_625 : vector<16xf32>
          %add3A_627 = arith.constant 12 : i32
          %add3A_628 = arith.addi %mul3A_121, %add3A_627 : i32
          %get3A_629 = arith.index_cast %add3A_628 : i32 to index
          %get3A_630 = arith.constant 48 : index
          %get3A_631 = tpu.vector_load %arg6[%get3A_629, %get3A_630] {strides = array<i32>} : memref<320x128xf32, #tpu.memory_space<vmem>>, vector<1x16xf32>,
          %get3A_632 = vector.shape_cast %get3A_631 : vector<1x16xf32> to vector<16xf32>
          %add3A_633 = arith.addf %add3A_626, %get3A_632 : vector<16xf32>
          %add3A_634 = arith.constant 13 : i32
          %add3A_635 = arith.addi %mul3A_121, %add3A_634 : i32
          %get3A_636 = arith.index_cast %add3A_635 : i32 to index
          %get3A_637 = arith.constant 48 : index
          %get3A_638 = tpu.vector_load %arg6[%get3A_636, %get3A_637] {strides = array<i32>} : memref<320x128xf32, #tpu.memory_space<vmem>>, vector<1x16xf32>,
          %get3A_639 = vector.shape_cast %get3A_638 : vector<1x16xf32> to vector<16xf32>
          %add3A_640 = arith.addf %add3A_633, %get3A_639 : vector<16xf32>
          %add3A_641 = arith.constant 14 : i32
          %add3A_642 = arith.addi %mul3A_121, %add3A_641 : i32
          %get3A_643 = arith.index_cast %add3A_642 : i32 to index
          %get3A_644 = arith.constant 48 : index
          %get3A_645 = tpu.vector_load %arg6[%get3A_643, %get3A_644] {strides = array<i32>} : memref<320x128xf32, #tpu.memory_space<vmem>>, vector<1x16xf32>,
          %get3A_646 = vector.shape_cast %get3A_645 : vector<1x16xf32> to vector<16xf32>
          %add3A_647 = arith.addf %add3A_640, %get3A_646 : vector<16xf32>
          %add3A_648 = arith.constant 15 : i32
          %add3A_649 = arith.addi %mul3A_121, %add3A_648 : i32
          %get3A_650 = arith.index_cast %add3A_649 : i32 to index
          %get3A_651 = arith.constant 48 : index
          %get3A_652 = tpu.vector_load %arg6[%get3A_650, %get3A_651] {strides = array<i32>} : memref<320x128xf32, #tpu.memory_space<vmem>>, vector<1x16xf32>,
          %get3A_653 = vector.shape_cast %get3A_652 : vector<1x16xf32> to vector<16xf32>
          %add3A_654 = arith.addf %add3A_647, %get3A_653 : vector<16xf32>
          %add3A_655 = arith.constant 16 : i32
          %add3A_656 = arith.addi %mul3A_121, %add3A_655 : i32
          %get3A_657 = arith.index_cast %add3A_656 : i32 to index
          %get3A_658 = arith.constant 48 : index
          %get3A_659 = tpu.vector_load %arg6[%get3A_657, %get3A_658] {strides = array<i32>} : memref<320x128xf32, #tpu.memory_space<vmem>>, vector<1x16xf32>,
          %get3A_660 = vector.shape_cast %get3A_659 : vector<1x16xf32> to vector<16xf32>
          %add3A_661 = arith.addf %add3A_654, %get3A_660 : vector<16xf32>
          %add3A_662 = arith.constant 17 : i32
          %add3A_663 = arith.addi %mul3A_121, %add3A_662 : i32
          %get3A_664 = arith.index_cast %add3A_663 : i32 to index
          %get3A_665 = arith.constant 48 : index
          %get3A_666 = tpu.vector_load %arg6[%get3A_664, %get3A_665] {strides = array<i32>} : memref<320x128xf32, #tpu.memory_space<vmem>>, vector<1x16xf32>,
          %get3A_667 = vector.shape_cast %get3A_666 : vector<1x16xf32> to vector<16xf32>
          %add3A_668 = arith.addf %add3A_661, %get3A_667 : vector<16xf32>
          %add3A_669 = arith.constant 18 : i32
          %add3A_670 = arith.addi %mul3A_121, %add3A_669 : i32
          %get3A_671 = arith.index_cast %add3A_670 : i32 to index
          %get3A_672 = arith.constant 48 : index
          %get3A_673 = tpu.vector_load %arg6[%get3A_671, %get3A_672] {strides = array<i32>} : memref<320x128xf32, #tpu.memory_space<vmem>>, vector<1x16xf32>,
          %get3A_674 = vector.shape_cast %get3A_673 : vector<1x16xf32> to vector<16xf32>
          %add3A_675 = arith.addf %add3A_668, %get3A_674 : vector<16xf32>
          %add3A_676 = arith.constant 19 : i32
          %add3A_677 = arith.addi %mul3A_121, %add3A_676 : i32
          %get3A_678 = arith.index_cast %add3A_677 : i32 to index
          %get3A_679 = arith.constant 48 : index
          %get3A_680 = tpu.vector_load %arg6[%get3A_678, %get3A_679] {strides = array<i32>} : memref<320x128xf32, #tpu.memory_space<vmem>>, vector<1x16xf32>,
          %get3A_681 = vector.shape_cast %get3A_680 : vector<1x16xf32> to vector<16xf32>
          %add3A_682 = arith.addf %add3A_675, %get3A_681 : vector<16xf32>
          %swap3A_683 = arith.index_cast %scan3A_119 : i32 to index
          %swap3A_684 = arith.constant 48 : index
          %swap3A_685 = tpu.vector_load %arg7[%swap3A_683, %swap3A_684] {strides = array<i32>} : memref<16x128xf32, #tpu.memory_space<vmem>>, vector<1x16xf32>,
          %swap3A_686 = vector.shape_cast %swap3A_685 : vector<1x16xf32> to vector<16xf32>
          %swap3A_687 = vector.shape_cast %add3A_682 : vector<16xf32> to vector<1x16xf32>
          tpu.vector_store %arg7[%swap3A_683, %swap3A_684], %swap3A_687 {strides = array<i32>} : memref<16x128xf32, #tpu.memory_space<vmem>>, vector<1x16xf32>,
          %get3A_688 = arith.index_cast %mul3A_121 : i32 to index
          %get3A_689 = arith.constant 64 : index
          %get3A_690 = tpu.vector_load %arg6[%get3A_688, %get3A_689] {strides = array<i32>} : memref<320x128xf32, #tpu.memory_space<vmem>>, vector<1x16xf32>,
          %get3A_691 = vector.shape_cast %get3A_690 : vector<1x16xf32> to vector<16xf32>
          %add3A_692 = arith.constant 1 : i32
          %add3A_693 = arith.addi %mul3A_121, %add3A_692 : i32
          %get3A_694 = arith.index_cast %add3A_693 : i32 to index
          %get3A_695 = arith.constant 64 : index
          %get3A_696 = tpu.vector_load %arg6[%get3A_694, %get3A_695] {strides = array<i32>} : memref<320x128xf32, #tpu.memory_space<vmem>>, vector<1x16xf32>,
          %get3A_697 = vector.shape_cast %get3A_696 : vector<1x16xf32> to vector<16xf32>
          %add3A_698 = arith.addf %get3A_691, %get3A_697 : vector<16xf32>
          %add3A_699 = arith.constant 2 : i32
          %add3A_700 = arith.addi %mul3A_121, %add3A_699 : i32
          %get3A_701 = arith.index_cast %add3A_700 : i32 to index
          %get3A_702 = arith.constant 64 : index
          %get3A_703 = tpu.vector_load %arg6[%get3A_701, %get3A_702] {strides = array<i32>} : memref<320x128xf32, #tpu.memory_space<vmem>>, vector<1x16xf32>,
          %get3A_704 = vector.shape_cast %get3A_703 : vector<1x16xf32> to vector<16xf32>
          %add3A_705 = arith.addf %add3A_698, %get3A_704 : vector<16xf32>
          %add3A_706 = arith.constant 3 : i32
          %add3A_707 = arith.addi %mul3A_121, %add3A_706 : i32
          %get3A_708 = arith.index_cast %add3A_707 : i32 to index
          %get3A_709 = arith.constant 64 : index
          %get3A_710 = tpu.vector_load %arg6[%get3A_708, %get3A_709] {strides = array<i32>} : memref<320x128xf32, #tpu.memory_space<vmem>>, vector<1x16xf32>,
          %get3A_711 = vector.shape_cast %get3A_710 : vector<1x16xf32> to vector<16xf32>
          %add3A_712 = arith.addf %add3A_705, %get3A_711 : vector<16xf32>
          %add3A_713 = arith.constant 4 : i32
          %add3A_714 = arith.addi %mul3A_121, %add3A_713 : i32
          %get3A_715 = arith.index_cast %add3A_714 : i32 to index
          %get3A_716 = arith.constant 64 : index
          %get3A_717 = tpu.vector_load %arg6[%get3A_715, %get3A_716] {strides = array<i32>} : memref<320x128xf32, #tpu.memory_space<vmem>>, vector<1x16xf32>,
          %get3A_718 = vector.shape_cast %get3A_717 : vector<1x16xf32> to vector<16xf32>
          %add3A_719 = arith.addf %add3A_712, %get3A_718 : vector<16xf32>
          %add3A_720 = arith.constant 5 : i32
          %add3A_721 = arith.addi %mul3A_121, %add3A_720 : i32
          %get3A_722 = arith.index_cast %add3A_721 : i32 to index
          %get3A_723 = arith.constant 64 : index
          %get3A_724 = tpu.vector_load %arg6[%get3A_722, %get3A_723] {strides = array<i32>} : memref<320x128xf32, #tpu.memory_space<vmem>>, vector<1x16xf32>,
          %get3A_725 = vector.shape_cast %get3A_724 : vector<1x16xf32> to vector<16xf32>
          %add3A_726 = arith.addf %add3A_719, %get3A_725 : vector<16xf32>
          %add3A_727 = arith.constant 6 : i32
          %add3A_728 = arith.addi %mul3A_121, %add3A_727 : i32
          %get3A_729 = arith.index_cast %add3A_728 : i32 to index
          %get3A_730 = arith.constant 64 : index
          %get3A_731 = tpu.vector_load %arg6[%get3A_729, %get3A_730] {strides = array<i32>} : memref<320x128xf32, #tpu.memory_space<vmem>>, vector<1x16xf32>,
          %get3A_732 = vector.shape_cast %get3A_731 : vector<1x16xf32> to vector<16xf32>
          %add3A_733 = arith.addf %add3A_726, %get3A_732 : vector<16xf32>
          %add3A_734 = arith.constant 7 : i32
          %add3A_735 = arith.addi %mul3A_121, %add3A_734 : i32
          %get3A_736 = arith.index_cast %add3A_735 : i32 to index
          %get3A_737 = arith.constant 64 : index
          %get3A_738 = tpu.vector_load %arg6[%get3A_736, %get3A_737] {strides = array<i32>} : memref<320x128xf32, #tpu.memory_space<vmem>>, vector<1x16xf32>,
          %get3A_739 = vector.shape_cast %get3A_738 : vector<1x16xf32> to vector<16xf32>
          %add3A_740 = arith.addf %add3A_733, %get3A_739 : vector<16xf32>
          %add3A_741 = arith.constant 8 : i32
          %add3A_742 = arith.addi %mul3A_121, %add3A_741 : i32
          %get3A_743 = arith.index_cast %add3A_742 : i32 to index
          %get3A_744 = arith.constant 64 : index
          %get3A_745 = tpu.vector_load %arg6[%get3A_743, %get3A_744] {strides = array<i32>} : memref<320x128xf32, #tpu.memory_space<vmem>>, vector<1x16xf32>,
          %get3A_746 = vector.shape_cast %get3A_745 : vector<1x16xf32> to vector<16xf32>
          %add3A_747 = arith.addf %add3A_740, %get3A_746 : vector<16xf32>
          %add3A_748 = arith.constant 9 : i32
          %add3A_749 = arith.addi %mul3A_121, %add3A_748 : i32
          %get3A_750 = arith.index_cast %add3A_749 : i32 to index
          %get3A_751 = arith.constant 64 : index
          %get3A_752 = tpu.vector_load %arg6[%get3A_750, %get3A_751] {strides = array<i32>} : memref<320x128xf32, #tpu.memory_space<vmem>>, vector<1x16xf32>,
          %get3A_753 = vector.shape_cast %get3A_752 : vector<1x16xf32> to vector<16xf32>
          %add3A_754 = arith.addf %add3A_747, %get3A_753 : vector<16xf32>
          %add3A_755 = arith.constant 10 : i32
          %add3A_756 = arith.addi %mul3A_121, %add3A_755 : i32
          %get3A_757 = arith.index_cast %add3A_756 : i32 to index
          %get3A_758 = arith.constant 64 : index
          %get3A_759 = tpu.vector_load %arg6[%get3A_757, %get3A_758] {strides = array<i32>} : memref<320x128xf32, #tpu.memory_space<vmem>>, vector<1x16xf32>,
          %get3A_760 = vector.shape_cast %get3A_759 : vector<1x16xf32> to vector<16xf32>
          %add3A_761 = arith.addf %add3A_754, %get3A_760 : vector<16xf32>
          %add3A_762 = arith.constant 11 : i32
          %add3A_763 = arith.addi %mul3A_121, %add3A_762 : i32
          %get3A_764 = arith.index_cast %add3A_763 : i32 to index
          %get3A_765 = arith.constant 64 : index
          %get3A_766 = tpu.vector_load %arg6[%get3A_764, %get3A_765] {strides = array<i32>} : memref<320x128xf32, #tpu.memory_space<vmem>>, vector<1x16xf32>,
          %get3A_767 = vector.shape_cast %get3A_766 : vector<1x16xf32> to vector<16xf32>
          %add3A_768 = arith.addf %add3A_761, %get3A_767 : vector<16xf32>
          %add3A_769 = arith.constant 12 : i32
          %add3A_770 = arith.addi %mul3A_121, %add3A_769 : i32
          %get3A_771 = arith.index_cast %add3A_770 : i32 to index
          %get3A_772 = arith.constant 64 : index
          %get3A_773 = tpu.vector_load %arg6[%get3A_771, %get3A_772] {strides = array<i32>} : memref<320x128xf32, #tpu.memory_space<vmem>>, vector<1x16xf32>,
          %get3A_774 = vector.shape_cast %get3A_773 : vector<1x16xf32> to vector<16xf32>
          %add3A_775 = arith.addf %add3A_768, %get3A_774 : vector<16xf32>
          %add3A_776 = arith.constant 13 : i32
          %add3A_777 = arith.addi %mul3A_121, %add3A_776 : i32
          %get3A_778 = arith.index_cast %add3A_777 : i32 to index
          %get3A_779 = arith.constant 64 : index
          %get3A_780 = tpu.vector_load %arg6[%get3A_778, %get3A_779] {strides = array<i32>} : memref<320x128xf32, #tpu.memory_space<vmem>>, vector<1x16xf32>,
          %get3A_781 = vector.shape_cast %get3A_780 : vector<1x16xf32> to vector<16xf32>
          %add3A_782 = arith.addf %add3A_775, %get3A_781 : vector<16xf32>
          %add3A_783 = arith.constant 14 : i32
          %add3A_784 = arith.addi %mul3A_121, %add3A_783 : i32
          %get3A_785 = arith.index_cast %add3A_784 : i32 to index
          %get3A_786 = arith.constant 64 : index
          %get3A_787 = tpu.vector_load %arg6[%get3A_785, %get3A_786] {strides = array<i32>} : memref<320x128xf32, #tpu.memory_space<vmem>>, vector<1x16xf32>,
          %get3A_788 = vector.shape_cast %get3A_787 : vector<1x16xf32> to vector<16xf32>
          %add3A_789 = arith.addf %add3A_782, %get3A_788 : vector<16xf32>
          %add3A_790 = arith.constant 15 : i32
          %add3A_791 = arith.addi %mul3A_121, %add3A_790 : i32
          %get3A_792 = arith.index_cast %add3A_791 : i32 to index
          %get3A_793 = arith.constant 64 : index
          %get3A_794 = tpu.vector_load %arg6[%get3A_792, %get3A_793] {strides = array<i32>} : memref<320x128xf32, #tpu.memory_space<vmem>>, vector<1x16xf32>,
          %get3A_795 = vector.shape_cast %get3A_794 : vector<1x16xf32> to vector<16xf32>
          %add3A_796 = arith.addf %add3A_789, %get3A_795 : vector<16xf32>
          %add3A_797 = arith.constant 16 : i32
          %add3A_798 = arith.addi %mul3A_121, %add3A_797 : i32
          %get3A_799 = arith.index_cast %add3A_798 : i32 to index
          %get3A_800 = arith.constant 64 : index
          %get3A_801 = tpu.vector_load %arg6[%get3A_799, %get3A_800] {strides = array<i32>} : memref<320x128xf32, #tpu.memory_space<vmem>>, vector<1x16xf32>,
          %get3A_802 = vector.shape_cast %get3A_801 : vector<1x16xf32> to vector<16xf32>
          %add3A_803 = arith.addf %add3A_796, %get3A_802 : vector<16xf32>
          %add3A_804 = arith.constant 17 : i32
          %add3A_805 = arith.addi %mul3A_121, %add3A_804 : i32
          %get3A_806 = arith.index_cast %add3A_805 : i32 to index
          %get3A_807 = arith.constant 64 : index
          %get3A_808 = tpu.vector_load %arg6[%get3A_806, %get3A_807] {strides = array<i32>} : memref<320x128xf32, #tpu.memory_space<vmem>>, vector<1x16xf32>,
          %get3A_809 = vector.shape_cast %get3A_808 : vector<1x16xf32> to vector<16xf32>
          %add3A_810 = arith.addf %add3A_803, %get3A_809 : vector<16xf32>
          %add3A_811 = arith.constant 18 : i32
          %add3A_812 = arith.addi %mul3A_121, %add3A_811 : i32
          %get3A_813 = arith.index_cast %add3A_812 : i32 to index
          %get3A_814 = arith.constant 64 : index
          %get3A_815 = tpu.vector_load %arg6[%get3A_813, %get3A_814] {strides = array<i32>} : memref<320x128xf32, #tpu.memory_space<vmem>>, vector<1x16xf32>,
          %get3A_816 = vector.shape_cast %get3A_815 : vector<1x16xf32> to vector<16xf32>
          %add3A_817 = arith.addf %add3A_810, %get3A_816 : vector<16xf32>
          %add3A_818 = arith.constant 19 : i32
          %add3A_819 = arith.addi %mul3A_121, %add3A_818 : i32
          %get3A_820 = arith.index_cast %add3A_819 : i32 to index
          %get3A_821 = arith.constant 64 : index
          %get3A_822 = tpu.vector_load %arg6[%get3A_820, %get3A_821] {strides = array<i32>} : memref<320x128xf32, #tpu.memory_space<vmem>>, vector<1x16xf32>,
          %get3A_823 = vector.shape_cast %get3A_822 : vector<1x16xf32> to vector<16xf32>
          %add3A_824 = arith.addf %add3A_817, %get3A_823 : vector<16xf32>
          %swap3A_825 = arith.index_cast %scan3A_119 : i32 to index
          %swap3A_826 = arith.constant 64 : index
          %swap3A_827 = tpu.vector_load %arg7[%swap3A_825, %swap3A_826] {strides = array<i32>} : memref<16x128xf32, #tpu.memory_space<vmem>>, vector<1x16xf32>,
          %swap3A_828 = vector.shape_cast %swap3A_827 : vector<1x16xf32> to vector<16xf32>
          %swap3A_829 = vector.shape_cast %add3A_824 : vector<16xf32> to vector<1x16xf32>
          tpu.vector_store %arg7[%swap3A_825, %swap3A_826], %swap3A_829 {strides = array<i32>} : memref<16x128xf32, #tpu.memory_space<vmem>>, vector<1x16xf32>,
          %get3A_830 = arith.index_cast %mul3A_121 : i32 to index
          %get3A_831 = arith.constant 80 : index
          %get3A_832 = tpu.vector_load %arg6[%get3A_830, %get3A_831] {strides = array<i32>} : memref<320x128xf32, #tpu.memory_space<vmem>>, vector<1x16xf32>,
          %get3A_833 = vector.shape_cast %get3A_832 : vector<1x16xf32> to vector<16xf32>
          %add3A_834 = arith.constant 1 : i32
          %add3A_835 = arith.addi %mul3A_121, %add3A_834 : i32
          %get3A_836 = arith.index_cast %add3A_835 : i32 to index
          %get3A_837 = arith.constant 80 : index
          %get3A_838 = tpu.vector_load %arg6[%get3A_836, %get3A_837] {strides = array<i32>} : memref<320x128xf32, #tpu.memory_space<vmem>>, vector<1x16xf32>,
          %get3A_839 = vector.shape_cast %get3A_838 : vector<1x16xf32> to vector<16xf32>
          %add3A_840 = arith.addf %get3A_833, %get3A_839 : vector<16xf32>
          %add3A_841 = arith.constant 2 : i32
          %add3A_842 = arith.addi %mul3A_121, %add3A_841 : i32
          %get3A_843 = arith.index_cast %add3A_842 : i32 to index
          %get3A_844 = arith.constant 80 : index
          %get3A_845 = tpu.vector_load %arg6[%get3A_843, %get3A_844] {strides = array<i32>} : memref<320x128xf32, #tpu.memory_space<vmem>>, vector<1x16xf32>,
          %get3A_846 = vector.shape_cast %get3A_845 : vector<1x16xf32> to vector<16xf32>
          %add3A_847 = arith.addf %add3A_840, %get3A_846 : vector<16xf32>
          %add3A_848 = arith.constant 3 : i32
          %add3A_849 = arith.addi %mul3A_121, %add3A_848 : i32
          %get3A_850 = arith.index_cast %add3A_849 : i32 to index
          %get3A_851 = arith.constant 80 : index
          %get3A_852 = tpu.vector_load %arg6[%get3A_850, %get3A_851] {strides = array<i32>} : memref<320x128xf32, #tpu.memory_space<vmem>>, vector<1x16xf32>,
          %get3A_853 = vector.shape_cast %get3A_852 : vector<1x16xf32> to vector<16xf32>
          %add3A_854 = arith.addf %add3A_847, %get3A_853 : vector<16xf32>
          %add3A_855 = arith.constant 4 : i32
          %add3A_856 = arith.addi %mul3A_121, %add3A_855 : i32
          %get3A_857 = arith.index_cast %add3A_856 : i32 to index
          %get3A_858 = arith.constant 80 : index
          %get3A_859 = tpu.vector_load %arg6[%get3A_857, %get3A_858] {strides = array<i32>} : memref<320x128xf32, #tpu.memory_space<vmem>>, vector<1x16xf32>,
          %get3A_860 = vector.shape_cast %get3A_859 : vector<1x16xf32> to vector<16xf32>
          %add3A_861 = arith.addf %add3A_854, %get3A_860 : vector<16xf32>
          %add3A_862 = arith.constant 5 : i32
          %add3A_863 = arith.addi %mul3A_121, %add3A_862 : i32
          %get3A_864 = arith.index_cast %add3A_863 : i32 to index
          %get3A_865 = arith.constant 80 : index
          %get3A_866 = tpu.vector_load %arg6[%get3A_864, %get3A_865] {strides = array<i32>} : memref<320x128xf32, #tpu.memory_space<vmem>>, vector<1x16xf32>,
          %get3A_867 = vector.shape_cast %get3A_866 : vector<1x16xf32> to vector<16xf32>
          %add3A_868 = arith.addf %add3A_861, %get3A_867 : vector<16xf32>
          %add3A_869 = arith.constant 6 : i32
          %add3A_870 = arith.addi %mul3A_121, %add3A_869 : i32
          %get3A_871 = arith.index_cast %add3A_870 : i32 to index
          %get3A_872 = arith.constant 80 : index
          %get3A_873 = tpu.vector_load %arg6[%get3A_871, %get3A_872] {strides = array<i32>} : memref<320x128xf32, #tpu.memory_space<vmem>>, vector<1x16xf32>,
          %get3A_874 = vector.shape_cast %get3A_873 : vector<1x16xf32> to vector<16xf32>
          %add3A_875 = arith.addf %add3A_868, %get3A_874 : vector<16xf32>
          %add3A_876 = arith.constant 7 : i32
          %add3A_877 = arith.addi %mul3A_121, %add3A_876 : i32
          %get3A_878 = arith.index_cast %add3A_877 : i32 to index
          %get3A_879 = arith.constant 80 : index
          %get3A_880 = tpu.vector_load %arg6[%get3A_878, %get3A_879] {strides = array<i32>} : memref<320x128xf32, #tpu.memory_space<vmem>>, vector<1x16xf32>,
          %get3A_881 = vector.shape_cast %get3A_880 : vector<1x16xf32> to vector<16xf32>
          %add3A_882 = arith.addf %add3A_875, %get3A_881 : vector<16xf32>
          %add3A_883 = arith.constant 8 : i32
          %add3A_884 = arith.addi %mul3A_121, %add3A_883 : i32
          %get3A_885 = arith.index_cast %add3A_884 : i32 to index
          %get3A_886 = arith.constant 80 : index
          %get3A_887 = tpu.vector_load %arg6[%get3A_885, %get3A_886] {strides = array<i32>} : memref<320x128xf32, #tpu.memory_space<vmem>>, vector<1x16xf32>,
          %get3A_888 = vector.shape_cast %get3A_887 : vector<1x16xf32> to vector<16xf32>
          %add3A_889 = arith.addf %add3A_882, %get3A_888 : vector<16xf32>
          %add3A_890 = arith.constant 9 : i32
          %add3A_891 = arith.addi %mul3A_121, %add3A_890 : i32
          %get3A_892 = arith.index_cast %add3A_891 : i32 to index
          %get3A_893 = arith.constant 80 : index
          %get3A_894 = tpu.vector_load %arg6[%get3A_892, %get3A_893] {strides = array<i32>} : memref<320x128xf32, #tpu.memory_space<vmem>>, vector<1x16xf32>,
          %get3A_895 = vector.shape_cast %get3A_894 : vector<1x16xf32> to vector<16xf32>
          %add3A_896 = arith.addf %add3A_889, %get3A_895 : vector<16xf32>
          %add3A_897 = arith.constant 10 : i32
          %add3A_898 = arith.addi %mul3A_121, %add3A_897 : i32
          %get3A_899 = arith.index_cast %add3A_898 : i32 to index
          %get3A_900 = arith.constant 80 : index
          %get3A_901 = tpu.vector_load %arg6[%get3A_899, %get3A_900] {strides = array<i32>} : memref<320x128xf32, #tpu.memory_space<vmem>>, vector<1x16xf32>,
          %get3A_902 = vector.shape_cast %get3A_901 : vector<1x16xf32> to vector<16xf32>
          %add3A_903 = arith.addf %add3A_896, %get3A_902 : vector<16xf32>
          %add3A_904 = arith.constant 11 : i32
          %add3A_905 = arith.addi %mul3A_121, %add3A_904 : i32
          %get3A_906 = arith.index_cast %add3A_905 : i32 to index
          %get3A_907 = arith.constant 80 : index
          %get3A_908 = tpu.vector_load %arg6[%get3A_906, %get3A_907] {strides = array<i32>} : memref<320x128xf32, #tpu.memory_space<vmem>>, vector<1x16xf32>,
          %get3A_909 = vector.shape_cast %get3A_908 : vector<1x16xf32> to vector<16xf32>
          %add3A_910 = arith.addf %add3A_903, %get3A_909 : vector<16xf32>
          %add3A_911 = arith.constant 12 : i32
          %add3A_912 = arith.addi %mul3A_121, %add3A_911 : i32
          %get3A_913 = arith.index_cast %add3A_912 : i32 to index
          %get3A_914 = arith.constant 80 : index
          %get3A_915 = tpu.vector_load %arg6[%get3A_913, %get3A_914] {strides = array<i32>} : memref<320x128xf32, #tpu.memory_space<vmem>>, vector<1x16xf32>,
          %get3A_916 = vector.shape_cast %get3A_915 : vector<1x16xf32> to vector<16xf32>
          %add3A_917 = arith.addf %add3A_910, %get3A_916 : vector<16xf32>
          %add3A_918 = arith.constant 13 : i32
          %add3A_919 = arith.addi %mul3A_121, %add3A_918 : i32
          %get3A_920 = arith.index_cast %add3A_919 : i32 to index
          %get3A_921 = arith.constant 80 : index
          %get3A_922 = tpu.vector_load %arg6[%get3A_920, %get3A_921] {strides = array<i32>} : memref<320x128xf32, #tpu.memory_space<vmem>>, vector<1x16xf32>,
          %get3A_923 = vector.shape_cast %get3A_922 : vector<1x16xf32> to vector<16xf32>
          %add3A_924 = arith.addf %add3A_917, %get3A_923 : vector<16xf32>
          %add3A_925 = arith.constant 14 : i32
          %add3A_926 = arith.addi %mul3A_121, %add3A_925 : i32
          %get3A_927 = arith.index_cast %add3A_926 : i32 to index
          %get3A_928 = arith.constant 80 : index
          %get3A_929 = tpu.vector_load %arg6[%get3A_927, %get3A_928] {strides = array<i32>} : memref<320x128xf32, #tpu.memory_space<vmem>>, vector<1x16xf32>,
          %get3A_930 = vector.shape_cast %get3A_929 : vector<1x16xf32> to vector<16xf32>
          %add3A_931 = arith.addf %add3A_924, %get3A_930 : vector<16xf32>
          %add3A_932 = arith.constant 15 : i32
          %add3A_933 = arith.addi %mul3A_121, %add3A_932 : i32
          %get3A_934 = arith.index_cast %add3A_933 : i32 to index
          %get3A_935 = arith.constant 80 : index
          %get3A_936 = tpu.vector_load %arg6[%get3A_934, %get3A_935] {strides = array<i32>} : memref<320x128xf32, #tpu.memory_space<vmem>>, vector<1x16xf32>,
          %get3A_937 = vector.shape_cast %get3A_936 : vector<1x16xf32> to vector<16xf32>
          %add3A_938 = arith.addf %add3A_931, %get3A_937 : vector<16xf32>
          %add3A_939 = arith.constant 16 : i32
          %add3A_940 = arith.addi %mul3A_121, %add3A_939 : i32
          %get3A_941 = arith.index_cast %add3A_940 : i32 to index
          %get3A_942 = arith.constant 80 : index
          %get3A_943 = tpu.vector_load %arg6[%get3A_941, %get3A_942] {strides = array<i32>} : memref<320x128xf32, #tpu.memory_space<vmem>>, vector<1x16xf32>,
          %get3A_944 = vector.shape_cast %get3A_943 : vector<1x16xf32> to vector<16xf32>
          %add3A_945 = arith.addf %add3A_938, %get3A_944 : vector<16xf32>
          %add3A_946 = arith.constant 17 : i32
          %add3A_947 = arith.addi %mul3A_121, %add3A_946 : i32
          %get3A_948 = arith.index_cast %add3A_947 : i32 to index
          %get3A_949 = arith.constant 80 : index
          %get3A_950 = tpu.vector_load %arg6[%get3A_948, %get3A_949] {strides = array<i32>} : memref<320x128xf32, #tpu.memory_space<vmem>>, vector<1x16xf32>,
          %get3A_951 = vector.shape_cast %get3A_950 : vector<1x16xf32> to vector<16xf32>
          %add3A_952 = arith.addf %add3A_945, %get3A_951 : vector<16xf32>
          %add3A_953 = arith.constant 18 : i32
          %add3A_954 = arith.addi %mul3A_121, %add3A_953 : i32
          %get3A_955 = arith.index_cast %add3A_954 : i32 to index
          %get3A_956 = arith.constant 80 : index
          %get3A_957 = tpu.vector_load %arg6[%get3A_955, %get3A_956] {strides = array<i32>} : memref<320x128xf32, #tpu.memory_space<vmem>>, vector<1x16xf32>,
          %get3A_958 = vector.shape_cast %get3A_957 : vector<1x16xf32> to vector<16xf32>
          %add3A_959 = arith.addf %add3A_952, %get3A_958 : vector<16xf32>
          %add3A_960 = arith.constant 19 : i32
          %add3A_961 = arith.addi %mul3A_121, %add3A_960 : i32
          %get3A_962 = arith.index_cast %add3A_961 : i32 to index
          %get3A_963 = arith.constant 80 : index
          %get3A_964 = tpu.vector_load %arg6[%get3A_962, %get3A_963] {strides = array<i32>} : memref<320x128xf32, #tpu.memory_space<vmem>>, vector<1x16xf32>,
          %get3A_965 = vector.shape_cast %get3A_964 : vector<1x16xf32> to vector<16xf32>
          %add3A_966 = arith.addf %add3A_959, %get3A_965 : vector<16xf32>
          %swap3A_967 = arith.index_cast %scan3A_119 : i32 to index
          %swap3A_968 = arith.constant 80 : index
          %swap3A_969 = tpu.vector_load %arg7[%swap3A_967, %swap3A_968] {strides = array<i32>} : memref<16x128xf32, #tpu.memory_space<vmem>>, vector<1x16xf32>,
          %swap3A_970 = vector.shape_cast %swap3A_969 : vector<1x16xf32> to vector<16xf32>
          %swap3A_971 = vector.shape_cast %add3A_966 : vector<16xf32> to vector<1x16xf32>
          tpu.vector_store %arg7[%swap3A_967, %swap3A_968], %swap3A_971 {strides = array<i32>} : memref<16x128xf32, #tpu.memory_space<vmem>>, vector<1x16xf32>,
          %get3A_972 = arith.index_cast %mul3A_121 : i32 to index
          %get3A_973 = arith.constant 96 : index
          %get3A_974 = tpu.vector_load %arg6[%get3A_972, %get3A_973] {strides = array<i32>} : memref<320x128xf32, #tpu.memory_space<vmem>>, vector<1x16xf32>,
          %get3A_975 = vector.shape_cast %get3A_974 : vector<1x16xf32> to vector<16xf32>
          %add3A_976 = arith.constant 1 : i32
          %add3A_977 = arith.addi %mul3A_121, %add3A_976 : i32
          %get3A_978 = arith.index_cast %add3A_977 : i32 to index
          %get3A_979 = arith.constant 96 : index
          %get3A_980 = tpu.vector_load %arg6[%get3A_978, %get3A_979] {strides = array<i32>} : memref<320x128xf32, #tpu.memory_space<vmem>>, vector<1x16xf32>,
          %get3A_981 = vector.shape_cast %get3A_980 : vector<1x16xf32> to vector<16xf32>
          %add3A_982 = arith.addf %get3A_975, %get3A_981 : vector<16xf32>
          %add3A_983 = arith.constant 2 : i32
          %add3A_984 = arith.addi %mul3A_121, %add3A_983 : i32
          %get3A_985 = arith.index_cast %add3A_984 : i32 to index
          %get3A_986 = arith.constant 96 : index
          %get3A_987 = tpu.vector_load %arg6[%get3A_985, %get3A_986] {strides = array<i32>} : memref<320x128xf32, #tpu.memory_space<vmem>>, vector<1x16xf32>,
          %get3A_988 = vector.shape_cast %get3A_987 : vector<1x16xf32> to vector<16xf32>
          %add3A_989 = arith.addf %add3A_982, %get3A_988 : vector<16xf32>
          %add3A_990 = arith.constant 3 : i32
          %add3A_991 = arith.addi %mul3A_121, %add3A_990 : i32
          %get3A_992 = arith.index_cast %add3A_991 : i32 to index
          %get3A_993 = arith.constant 96 : index
          %get3A_994 = tpu.vector_load %arg6[%get3A_992, %get3A_993] {strides = array<i32>} : memref<320x128xf32, #tpu.memory_space<vmem>>, vector<1x16xf32>,
          %get3A_995 = vector.shape_cast %get3A_994 : vector<1x16xf32> to vector<16xf32>
          %add3A_996 = arith.addf %add3A_989, %get3A_995 : vector<16xf32>
          %add3A_997 = arith.constant 4 : i32
          %add3A_998 = arith.addi %mul3A_121, %add3A_997 : i32
          %get3A_999 = arith.index_cast %add3A_998 : i32 to index
          %get3A_1000 = arith.constant 96 : index
          %get3A_1001 = tpu.vector_load %arg6[%get3A_999, %get3A_1000] {strides = array<i32>} : memref<320x128xf32, #tpu.memory_space<vmem>>, vector<1x16xf32>,
          %get3A_1002 = vector.shape_cast %get3A_1001 : vector<1x16xf32> to vector<16xf32>
          %add3A_1003 = arith.addf %add3A_996, %get3A_1002 : vector<16xf32>
          %add3A_1004 = arith.constant 5 : i32
          %add3A_1005 = arith.addi %mul3A_121, %add3A_1004 : i32
          %get3A_1006 = arith.index_cast %add3A_1005 : i32 to index
          %get3A_1007 = arith.constant 96 : index
          %get3A_1008 = tpu.vector_load %arg6[%get3A_1006, %get3A_1007] {strides = array<i32>} : memref<320x128xf32, #tpu.memory_space<vmem>>, vector<1x16xf32>,
          %get3A_1009 = vector.shape_cast %get3A_1008 : vector<1x16xf32> to vector<16xf32>
          %add3A_1010 = arith.addf %add3A_1003, %get3A_1009 : vector<16xf32>
          %add3A_1011 = arith.constant 6 : i32
          %add3A_1012 = arith.addi %mul3A_121, %add3A_1011 : i32
          %get3A_1013 = arith.index_cast %add3A_1012 : i32 to index
          %get3A_1014 = arith.constant 96 : index
          %get3A_1015 = tpu.vector_load %arg6[%get3A_1013, %get3A_1014] {strides = array<i32>} : memref<320x128xf32, #tpu.memory_space<vmem>>, vector<1x16xf32>,
          %get3A_1016 = vector.shape_cast %get3A_1015 : vector<1x16xf32> to vector<16xf32>
          %add3A_1017 = arith.addf %add3A_1010, %get3A_1016 : vector<16xf32>
          %add3A_1018 = arith.constant 7 : i32
          %add3A_1019 = arith.addi %mul3A_121, %add3A_1018 : i32
          %get3A_1020 = arith.index_cast %add3A_1019 : i32 to index
          %get3A_1021 = arith.constant 96 : index
          %get3A_1022 = tpu.vector_load %arg6[%get3A_1020, %get3A_1021] {strides = array<i32>} : memref<320x128xf32, #tpu.memory_space<vmem>>, vector<1x16xf32>,
          %get3A_1023 = vector.shape_cast %get3A_1022 : vector<1x16xf32> to vector<16xf32>
          %add3A_1024 = arith.addf %add3A_1017, %get3A_1023 : vector<16xf32>
          %add3A_1025 = arith.constant 8 : i32
          %add3A_1026 = arith.addi %mul3A_121, %add3A_1025 : i32
          %get3A_1027 = arith.index_cast %add3A_1026 : i32 to index
          %get3A_1028 = arith.constant 96 : index
          %get3A_1029 = tpu.vector_load %arg6[%get3A_1027, %get3A_1028] {strides = array<i32>} : memref<320x128xf32, #tpu.memory_space<vmem>>, vector<1x16xf32>,
          %get3A_1030 = vector.shape_cast %get3A_1029 : vector<1x16xf32> to vector<16xf32>
          %add3A_1031 = arith.addf %add3A_1024, %get3A_1030 : vector<16xf32>
          %add3A_1032 = arith.constant 9 : i32
          %add3A_1033 = arith.addi %mul3A_121, %add3A_1032 : i32
          %get3A_1034 = arith.index_cast %add3A_1033 : i32 to index
          %get3A_1035 = arith.constant 96 : index
          %get3A_1036 = tpu.vector_load %arg6[%get3A_1034, %get3A_1035] {strides = array<i32>} : memref<320x128xf32, #tpu.memory_space<vmem>>, vector<1x16xf32>,
          %get3A_1037 = vector.shape_cast %get3A_1036 : vector<1x16xf32> to vector<16xf32>
          %add3A_1038 = arith.addf %add3A_1031, %get3A_1037 : vector<16xf32>
          %add3A_1039 = arith.constant 10 : i32
          %add3A_1040 = arith.addi %mul3A_121, %add3A_1039 : i32
          %get3A_1041 = arith.index_cast %add3A_1040 : i32 to index
          %get3A_1042 = arith.constant 96 : index
          %get3A_1043 = tpu.vector_load %arg6[%get3A_1041, %get3A_1042] {strides = array<i32>} : memref<320x128xf32, #tpu.memory_space<vmem>>, vector<1x16xf32>,
          %get3A_1044 = vector.shape_cast %get3A_1043 : vector<1x16xf32> to vector<16xf32>
          %add3A_1045 = arith.addf %add3A_1038, %get3A_1044 : vector<16xf32>
          %add3A_1046 = arith.constant 11 : i32
          %add3A_1047 = arith.addi %mul3A_121, %add3A_1046 : i32
          %get3A_1048 = arith.index_cast %add3A_1047 : i32 to index
          %get3A_1049 = arith.constant 96 : index
          %get3A_1050 = tpu.vector_load %arg6[%get3A_1048, %get3A_1049] {strides = array<i32>} : memref<320x128xf32, #tpu.memory_space<vmem>>, vector<1x16xf32>,
          %get3A_1051 = vector.shape_cast %get3A_1050 : vector<1x16xf32> to vector<16xf32>
          %add3A_1052 = arith.addf %add3A_1045, %get3A_1051 : vector<16xf32>
          %add3A_1053 = arith.constant 12 : i32
          %add3A_1054 = arith.addi %mul3A_121, %add3A_1053 : i32
          %get3A_1055 = arith.index_cast %add3A_1054 : i32 to index
          %get3A_1056 = arith.constant 96 : index
          %get3A_1057 = tpu.vector_load %arg6[%get3A_1055, %get3A_1056] {strides = array<i32>} : memref<320x128xf32, #tpu.memory_space<vmem>>, vector<1x16xf32>,
          %get3A_1058 = vector.shape_cast %get3A_1057 : vector<1x16xf32> to vector<16xf32>
          %add3A_1059 = arith.addf %add3A_1052, %get3A_1058 : vector<16xf32>
          %add3A_1060 = arith.constant 13 : i32
          %add3A_1061 = arith.addi %mul3A_121, %add3A_1060 : i32
          %get3A_1062 = arith.index_cast %add3A_1061 : i32 to index
          %get3A_1063 = arith.constant 96 : index
          %get3A_1064 = tpu.vector_load %arg6[%get3A_1062, %get3A_1063] {strides = array<i32>} : memref<320x128xf32, #tpu.memory_space<vmem>>, vector<1x16xf32>,
          %get3A_1065 = vector.shape_cast %get3A_1064 : vector<1x16xf32> to vector<16xf32>
          %add3A_1066 = arith.addf %add3A_1059, %get3A_1065 : vector<16xf32>
          %add3A_1067 = arith.constant 14 : i32
          %add3A_1068 = arith.addi %mul3A_121, %add3A_1067 : i32
          %get3A_1069 = arith.index_cast %add3A_1068 : i32 to index
          %get3A_1070 = arith.constant 96 : index
          %get3A_1071 = tpu.vector_load %arg6[%get3A_1069, %get3A_1070] {strides = array<i32>} : memref<320x128xf32, #tpu.memory_space<vmem>>, vector<1x16xf32>,
          %get3A_1072 = vector.shape_cast %get3A_1071 : vector<1x16xf32> to vector<16xf32>
          %add3A_1073 = arith.addf %add3A_1066, %get3A_1072 : vector<16xf32>
          %add3A_1074 = arith.constant 15 : i32
          %add3A_1075 = arith.addi %mul3A_121, %add3A_1074 : i32
          %get3A_1076 = arith.index_cast %add3A_1075 : i32 to index
          %get3A_1077 = arith.constant 96 : index
          %get3A_1078 = tpu.vector_load %arg6[%get3A_1076, %get3A_1077] {strides = array<i32>} : memref<320x128xf32, #tpu.memory_space<vmem>>, vector<1x16xf32>,
          %get3A_1079 = vector.shape_cast %get3A_1078 : vector<1x16xf32> to vector<16xf32>
          %add3A_1080 = arith.addf %add3A_1073, %get3A_1079 : vector<16xf32>
          %add3A_1081 = arith.constant 16 : i32
          %add3A_1082 = arith.addi %mul3A_121, %add3A_1081 : i32
          %get3A_1083 = arith.index_cast %add3A_1082 : i32 to index
          %get3A_1084 = arith.constant 96 : index
          %get3A_1085 = tpu.vector_load %arg6[%get3A_1083, %get3A_1084] {strides = array<i32>} : memref<320x128xf32, #tpu.memory_space<vmem>>, vector<1x16xf32>,
          %get3A_1086 = vector.shape_cast %get3A_1085 : vector<1x16xf32> to vector<16xf32>
          %add3A_1087 = arith.addf %add3A_1080, %get3A_1086 : vector<16xf32>
          %add3A_1088 = arith.constant 17 : i32
          %add3A_1089 = arith.addi %mul3A_121, %add3A_1088 : i32
          %get3A_1090 = arith.index_cast %add3A_1089 : i32 to index
          %get3A_1091 = arith.constant 96 : index
          %get3A_1092 = tpu.vector_load %arg6[%get3A_1090, %get3A_1091] {strides = array<i32>} : memref<320x128xf32, #tpu.memory_space<vmem>>, vector<1x16xf32>,
          %get3A_1093 = vector.shape_cast %get3A_1092 : vector<1x16xf32> to vector<16xf32>
          %add3A_1094 = arith.addf %add3A_1087, %get3A_1093 : vector<16xf32>
          %add3A_1095 = arith.constant 18 : i32
          %add3A_1096 = arith.addi %mul3A_121, %add3A_1095 : i32
          %get3A_1097 = arith.index_cast %add3A_1096 : i32 to index
          %get3A_1098 = arith.constant 96 : index
          %get3A_1099 = tpu.vector_load %arg6[%get3A_1097, %get3A_1098] {strides = array<i32>} : memref<320x128xf32, #tpu.memory_space<vmem>>, vector<1x16xf32>,
          %get3A_1100 = vector.shape_cast %get3A_1099 : vector<1x16xf32> to vector<16xf32>
          %add3A_1101 = arith.addf %add3A_1094, %get3A_1100 : vector<16xf32>
          %add3A_1102 = arith.constant 19 : i32
          %add3A_1103 = arith.addi %mul3A_121, %add3A_1102 : i32
          %get3A_1104 = arith.index_cast %add3A_1103 : i32 to index
          %get3A_1105 = arith.constant 96 : index
          %get3A_1106 = tpu.vector_load %arg6[%get3A_1104, %get3A_1105] {strides = array<i32>} : memref<320x128xf32, #tpu.memory_space<vmem>>, vector<1x16xf32>,
          %get3A_1107 = vector.shape_cast %get3A_1106 : vector<1x16xf32> to vector<16xf32>
          %add3A_1108 = arith.addf %add3A_1101, %get3A_1107 : vector<16xf32>
          %swap3A_1109 = arith.index_cast %scan3A_119 : i32 to index
          %swap3A_1110 = arith.constant 96 : index
          %swap3A_1111 = tpu.vector_load %arg7[%swap3A_1109, %swap3A_1110] {strides = array<i32>} : memref<16x128xf32, #tpu.memory_space<vmem>>, vector<1x16xf32>,
          %swap3A_1112 = vector.shape_cast %swap3A_1111 : vector<1x16xf32> to vector<16xf32>
          %swap3A_1113 = vector.shape_cast %add3A_1108 : vector<16xf32> to vector<1x16xf32>
          tpu.vector_store %arg7[%swap3A_1109, %swap3A_1110], %swap3A_1113 {strides = array<i32>} : memref<16x128xf32, #tpu.memory_space<vmem>>, vector<1x16xf32>,
          %get3A_1114 = arith.index_cast %mul3A_121 : i32 to index
          %get3A_1115 = arith.constant 112 : index
          %get3A_1116 = tpu.vector_load %arg6[%get3A_1114, %get3A_1115] {strides = array<i32>} : memref<320x128xf32, #tpu.memory_space<vmem>>, vector<1x16xf32>,
          %get3A_1117 = vector.shape_cast %get3A_1116 : vector<1x16xf32> to vector<16xf32>
          %add3A_1118 = arith.constant 1 : i32
          %add3A_1119 = arith.addi %mul3A_121, %add3A_1118 : i32
          %get3A_1120 = arith.index_cast %add3A_1119 : i32 to index
          %get3A_1121 = arith.constant 112 : index
          %get3A_1122 = tpu.vector_load %arg6[%get3A_1120, %get3A_1121] {strides = array<i32>} : memref<320x128xf32, #tpu.memory_space<vmem>>, vector<1x16xf32>,
          %get3A_1123 = vector.shape_cast %get3A_1122 : vector<1x16xf32> to vector<16xf32>
          %add3A_1124 = arith.addf %get3A_1117, %get3A_1123 : vector<16xf32>
          %add3A_1125 = arith.constant 2 : i32
          %add3A_1126 = arith.addi %mul3A_121, %add3A_1125 : i32
          %get3A_1127 = arith.index_cast %add3A_1126 : i32 to index
          %get3A_1128 = arith.constant 112 : index
          %get3A_1129 = tpu.vector_load %arg6[%get3A_1127, %get3A_1128] {strides = array<i32>} : memref<320x128xf32, #tpu.memory_space<vmem>>, vector<1x16xf32>,
          %get3A_1130 = vector.shape_cast %get3A_1129 : vector<1x16xf32> to vector<16xf32>
          %add3A_1131 = arith.addf %add3A_1124, %get3A_1130 : vector<16xf32>
          %add3A_1132 = arith.constant 3 : i32
          %add3A_1133 = arith.addi %mul3A_121, %add3A_1132 : i32
          %get3A_1134 = arith.index_cast %add3A_1133 : i32 to index
          %get3A_1135 = arith.constant 112 : index
          %get3A_1136 = tpu.vector_load %arg6[%get3A_1134, %get3A_1135] {strides = array<i32>} : memref<320x128xf32, #tpu.memory_space<vmem>>, vector<1x16xf32>,
          %get3A_1137 = vector.shape_cast %get3A_1136 : vector<1x16xf32> to vector<16xf32>
          %add3A_1138 = arith.addf %add3A_1131, %get3A_1137 : vector<16xf32>
          %add3A_1139 = arith.constant 4 : i32
          %add3A_1140 = arith.addi %mul3A_121, %add3A_1139 : i32
          %get3A_1141 = arith.index_cast %add3A_1140 : i32 to index
          %get3A_1142 = arith.constant 112 : index
          %get3A_1143 = tpu.vector_load %arg6[%get3A_1141, %get3A_1142] {strides = array<i32>} : memref<320x128xf32, #tpu.memory_space<vmem>>, vector<1x16xf32>,
          %get3A_1144 = vector.shape_cast %get3A_1143 : vector<1x16xf32> to vector<16xf32>
          %add3A_1145 = arith.addf %add3A_1138, %get3A_1144 : vector<16xf32>
          %add3A_1146 = arith.constant 5 : i32
          %add3A_1147 = arith.addi %mul3A_121, %add3A_1146 : i32
          %get3A_1148 = arith.index_cast %add3A_1147 : i32 to index
          %get3A_1149 = arith.constant 112 : index
          %get3A_1150 = tpu.vector_load %arg6[%get3A_1148, %get3A_1149] {strides = array<i32>} : memref<320x128xf32, #tpu.memory_space<vmem>>, vector<1x16xf32>,
          %get3A_1151 = vector.shape_cast %get3A_1150 : vector<1x16xf32> to vector<16xf32>
          %add3A_1152 = arith.addf %add3A_1145, %get3A_1151 : vector<16xf32>
          %add3A_1153 = arith.constant 6 : i32
          %add3A_1154 = arith.addi %mul3A_121, %add3A_1153 : i32
          %get3A_1155 = arith.index_cast %add3A_1154 : i32 to index
          %get3A_1156 = arith.constant 112 : index
          %get3A_1157 = tpu.vector_load %arg6[%get3A_1155, %get3A_1156] {strides = array<i32>} : memref<320x128xf32, #tpu.memory_space<vmem>>, vector<1x16xf32>,
          %get3A_1158 = vector.shape_cast %get3A_1157 : vector<1x16xf32> to vector<16xf32>
          %add3A_1159 = arith.addf %add3A_1152, %get3A_1158 : vector<16xf32>
          %add3A_1160 = arith.constant 7 : i32
          %add3A_1161 = arith.addi %mul3A_121, %add3A_1160 : i32
          %get3A_1162 = arith.index_cast %add3A_1161 : i32 to index
          %get3A_1163 = arith.constant 112 : index
          %get3A_1164 = tpu.vector_load %arg6[%get3A_1162, %get3A_1163] {strides = array<i32>} : memref<320x128xf32, #tpu.memory_space<vmem>>, vector<1x16xf32>,
          %get3A_1165 = vector.shape_cast %get3A_1164 : vector<1x16xf32> to vector<16xf32>
          %add3A_1166 = arith.addf %add3A_1159, %get3A_1165 : vector<16xf32>
          %add3A_1167 = arith.constant 8 : i32
          %add3A_1168 = arith.addi %mul3A_121, %add3A_1167 : i32
          %get3A_1169 = arith.index_cast %add3A_1168 : i32 to index
          %get3A_1170 = arith.constant 112 : index
          %get3A_1171 = tpu.vector_load %arg6[%get3A_1169, %get3A_1170] {strides = array<i32>} : memref<320x128xf32, #tpu.memory_space<vmem>>, vector<1x16xf32>,
          %get3A_1172 = vector.shape_cast %get3A_1171 : vector<1x16xf32> to vector<16xf32>
          %add3A_1173 = arith.addf %add3A_1166, %get3A_1172 : vector<16xf32>
          %add3A_1174 = arith.constant 9 : i32
          %add3A_1175 = arith.addi %mul3A_121, %add3A_1174 : i32
          %get3A_1176 = arith.index_cast %add3A_1175 : i32 to index
          %get3A_1177 = arith.constant 112 : index
          %get3A_1178 = tpu.vector_load %arg6[%get3A_1176, %get3A_1177] {strides = array<i32>} : memref<320x128xf32, #tpu.memory_space<vmem>>, vector<1x16xf32>,
          %get3A_1179 = vector.shape_cast %get3A_1178 : vector<1x16xf32> to vector<16xf32>
          %add3A_1180 = arith.addf %add3A_1173, %get3A_1179 : vector<16xf32>
          %add3A_1181 = arith.constant 10 : i32
          %add3A_1182 = arith.addi %mul3A_121, %add3A_1181 : i32
          %get3A_1183 = arith.index_cast %add3A_1182 : i32 to index
          %get3A_1184 = arith.constant 112 : index
          %get3A_1185 = tpu.vector_load %arg6[%get3A_1183, %get3A_1184] {strides = array<i32>} : memref<320x128xf32, #tpu.memory_space<vmem>>, vector<1x16xf32>,
          %get3A_1186 = vector.shape_cast %get3A_1185 : vector<1x16xf32> to vector<16xf32>
          %add3A_1187 = arith.addf %add3A_1180, %get3A_1186 : vector<16xf32>
          %add3A_1188 = arith.constant 11 : i32
          %add3A_1189 = arith.addi %mul3A_121, %add3A_1188 : i32
          %get3A_1190 = arith.index_cast %add3A_1189 : i32 to index
          %get3A_1191 = arith.constant 112 : index
          %get3A_1192 = tpu.vector_load %arg6[%get3A_1190, %get3A_1191] {strides = array<i32>} : memref<320x128xf32, #tpu.memory_space<vmem>>, vector<1x16xf32>,
          %get3A_1193 = vector.shape_cast %get3A_1192 : vector<1x16xf32> to vector<16xf32>
          %add3A_1194 = arith.addf %add3A_1187, %get3A_1193 : vector<16xf32>
          %add3A_1195 = arith.constant 12 : i32
          %add3A_1196 = arith.addi %mul3A_121, %add3A_1195 : i32
          %get3A_1197 = arith.index_cast %add3A_1196 : i32 to index
          %get3A_1198 = arith.constant 112 : index
          %get3A_1199 = tpu.vector_load %arg6[%get3A_1197, %get3A_1198] {strides = array<i32>} : memref<320x128xf32, #tpu.memory_space<vmem>>, vector<1x16xf32>,
          %get3A_1200 = vector.shape_cast %get3A_1199 : vector<1x16xf32> to vector<16xf32>
          %add3A_1201 = arith.addf %add3A_1194, %get3A_1200 : vector<16xf32>
          %add3A_1202 = arith.constant 13 : i32
          %add3A_1203 = arith.addi %mul3A_121, %add3A_1202 : i32
          %get3A_1204 = arith.index_cast %add3A_1203 : i32 to index
          %get3A_1205 = arith.constant 112 : index
          %get3A_1206 = tpu.vector_load %arg6[%get3A_1204, %get3A_1205] {strides = array<i32>} : memref<320x128xf32, #tpu.memory_space<vmem>>, vector<1x16xf32>,
          %get3A_1207 = vector.shape_cast %get3A_1206 : vector<1x16xf32> to vector<16xf32>
          %add3A_1208 = arith.addf %add3A_1201, %get3A_1207 : vector<16xf32>
          %add3A_1209 = arith.constant 14 : i32
          %add3A_1210 = arith.addi %mul3A_121, %add3A_1209 : i32
          %get3A_1211 = arith.index_cast %add3A_1210 : i32 to index
          %get3A_1212 = arith.constant 112 : index
          %get3A_1213 = tpu.vector_load %arg6[%get3A_1211, %get3A_1212] {strides = array<i32>} : memref<320x128xf32, #tpu.memory_space<vmem>>, vector<1x16xf32>,
          %get3A_1214 = vector.shape_cast %get3A_1213 : vector<1x16xf32> to vector<16xf32>
          %add3A_1215 = arith.addf %add3A_1208, %get3A_1214 : vector<16xf32>
          %add3A_1216 = arith.constant 15 : i32
          %add3A_1217 = arith.addi %mul3A_121, %add3A_1216 : i32
          %get3A_1218 = arith.index_cast %add3A_1217 : i32 to index
          %get3A_1219 = arith.constant 112 : index
          %get3A_1220 = tpu.vector_load %arg6[%get3A_1218, %get3A_1219] {strides = array<i32>} : memref<320x128xf32, #tpu.memory_space<vmem>>, vector<1x16xf32>,
          %get3A_1221 = vector.shape_cast %get3A_1220 : vector<1x16xf32> to vector<16xf32>
          %add3A_1222 = arith.addf %add3A_1215, %get3A_1221 : vector<16xf32>
          %add3A_1223 = arith.constant 16 : i32
          %add3A_1224 = arith.addi %mul3A_121, %add3A_1223 : i32
          %get3A_1225 = arith.index_cast %add3A_1224 : i32 to index
          %get3A_1226 = arith.constant 112 : index
          %get3A_1227 = tpu.vector_load %arg6[%get3A_1225, %get3A_1226] {strides = array<i32>} : memref<320x128xf32, #tpu.memory_space<vmem>>, vector<1x16xf32>,
          %get3A_1228 = vector.shape_cast %get3A_1227 : vector<1x16xf32> to vector<16xf32>
          %add3A_1229 = arith.addf %add3A_1222, %get3A_1228 : vector<16xf32>
          %add3A_1230 = arith.constant 17 : i32
          %add3A_1231 = arith.addi %mul3A_121, %add3A_1230 : i32
          %get3A_1232 = arith.index_cast %add3A_1231 : i32 to index
          %get3A_1233 = arith.constant 112 : index
          %get3A_1234 = tpu.vector_load %arg6[%get3A_1232, %get3A_1233] {strides = array<i32>} : memref<320x128xf32, #tpu.memory_space<vmem>>, vector<1x16xf32>,
          %get3A_1235 = vector.shape_cast %get3A_1234 : vector<1x16xf32> to vector<16xf32>
          %add3A_1236 = arith.addf %add3A_1229, %get3A_1235 : vector<16xf32>
          %add3A_1237 = arith.constant 18 : i32
          %add3A_1238 = arith.addi %mul3A_121, %add3A_1237 : i32
          %get3A_1239 = arith.index_cast %add3A_1238 : i32 to index
          %get3A_1240 = arith.constant 112 : index
          %get3A_1241 = tpu.vector_load %arg6[%get3A_1239, %get3A_1240] {strides = array<i32>} : memref<320x128xf32, #tpu.memory_space<vmem>>, vector<1x16xf32>,
          %get3A_1242 = vector.shape_cast %get3A_1241 : vector<1x16xf32> to vector<16xf32>
          %add3A_1243 = arith.addf %add3A_1236, %get3A_1242 : vector<16xf32>
          %add3A_1244 = arith.constant 19 : i32
          %add3A_1245 = arith.addi %mul3A_121, %add3A_1244 : i32
          %get3A_1246 = arith.index_cast %add3A_1245 : i32 to index
          %get3A_1247 = arith.constant 112 : index
          %get3A_1248 = tpu.vector_load %arg6[%get3A_1246, %get3A_1247] {strides = array<i32>} : memref<320x128xf32, #tpu.memory_space<vmem>>, vector<1x16xf32>,
          %get3A_1249 = vector.shape_cast %get3A_1248 : vector<1x16xf32> to vector<16xf32>
          %add3A_1250 = arith.addf %add3A_1243, %get3A_1249 : vector<16xf32>
          %swap3A_1251 = arith.index_cast %scan3A_119 : i32 to index
          %swap3A_1252 = arith.constant 112 : index
          %swap3A_1253 = tpu.vector_load %arg7[%swap3A_1251, %swap3A_1252] {strides = array<i32>} : memref<16x128xf32, #tpu.memory_space<vmem>>, vector<1x16xf32>,
          %swap3A_1254 = vector.shape_cast %swap3A_1253 : vector<1x16xf32> to vector<16xf32>
          %swap3A_1255 = vector.shape_cast %add3A_1250 : vector<16xf32> to vector<1x16xf32>
          tpu.vector_store %arg7[%swap3A_1251, %swap3A_1252], %swap3A_1255 {strides = array<i32>} : memref<16x128xf32, #tpu.memory_space<vmem>>, vector<1x16xf32>,
        }
        %scan3A_110 = arith.constant 16 : i32
        %mul3A_111 = arith.constant 4096 : i32
        %mul3A_112 = arith.muli %scan3A_6, %mul3A_111 : i32
        %mul3A_113 = arith.constant 128 : i32
        %mul3A_114 = arith.muli %add3A, %mul3A_113 : i32
        %add3A_115 = arith.addi %mul3A_112, %mul3A_114 : i32
        %mul3A_116 = arith.constant 16 : i32
        %mul3A_117 = arith.muli %scan3A_18, %mul3A_116 : i32
        %add3A_118 = arith.addi %add3A_115, %mul3A_117 : i32
        "tpu.region"() ({
          %run_scoped3A = tpu.sem_alloc : memref<!tpu.dma_semaphore, #tpu.memory_space<semaphore_mem>>
          %dma_start3A_119 = arith.constant 0 : i32
          %dma_start3A_120 = tpu.memref_slice %arg4[%add3A_118, %dma_start3A_119] : memref<106496x128xf32, #tpu.memory_space<hbm>> -> memref<16x128xf32, #tpu.memory_space<hbm>>
          %dma_start3A_121 = arith.constant 0 : i32
          %dma_start3A_122 = tpu.memref_slice %arg4[%add3A_118, %dma_start3A_121] : memref<106496x128xf32, #tpu.memory_space<hbm>> -> memref<16x128xf32, #tpu.memory_space<hbm>>
          tpu.enqueue_dma source(%arg7 : memref<16x128xf32, #tpu.memory_space<vmem>>) target(%dma_start3A_122 : memref<16x128xf32, #tpu.memory_space<hbm>>) target_semaphore(%run_scoped3A : memref<!tpu.dma_semaphore, #tpu.memory_space<semaphore_mem>>)
          %dma_wait3A_123 = arith.constant 0 : i32
          %dma_wait3A_124 = tpu.memref_slice %arg4[%add3A_118, %dma_wait3A_123] : memref<106496x128xf32, #tpu.memory_space<hbm>> -> memref<16x128xf32, #tpu.memory_space<hbm>>
          %dma_wait3A_125 = arith.constant 0 : i32
          %dma_wait3A_126 = tpu.memref_slice %arg4[%add3A_118, %dma_wait3A_125] : memref<106496x128xf32, #tpu.memory_space<hbm>> -> memref<16x128xf32, #tpu.memory_space<hbm>>
          tpu.wait_dma2 semaphore(%run_scoped3A : memref<!tpu.dma_semaphore, #tpu.memory_space<semaphore_mem>>) src(%arg7 : memref<16x128xf32, #tpu.memory_space<vmem>>) dst(%dma_wait3A_126 : memref<16x128xf32, #tpu.memory_space<hbm>>)
          tpu.yield
        }) : () -> ()
      }
      %scan3A_17 = arith.constant 8 : i32
    }
    %scan3A_5 = arith.constant 26 : i32
    return
  }
}

</mosaic_0001>

<sc_bundles>
// kernel: kernel.3.cloned.1.call-start
scs
__scs_entry_jumppad:
0x0: {  	(pc) =	sbr.rel $0x88, $3  }
0x1: {  	(tag) =	ssettag $0x0;
	lr =	simm.s32 $0x1  }
0x2: {  	[smem:$0x3F9F] =	sst lr;
	_ =	strace $0xD0000000  }
0x3: {  	_ = 	snop  }
0x4: {  	_ = 	snop  }
0x5: {  	_ = 	snop  }
0x6: {  	_ = 	snop  }
0x7: {  	_ = 	snop  }
__scs_overlays_trampoline_lowered:
0x8: {  	[smem:$0x3FAE] =	sst s0  }
0x9: {  	[smem:$0x3FAF] =	sst s1  }
0xa: {  	[smem:$0x3FB0] =	sst s2  }
0xb: {  	[smem:$0x3FB1] =	sst s3  }
0xc: {  	[smem:$0x3FB2] =	sst s4  }
0xd: {  	[smem:$0x3FB3] =	sst s5  }
0xe: {  	[smem:$0x3FB4] =	sst s6  }
0xf: {  	[smem:$0x3FB5] =	sst s7  }
0x10: {  	[smem:$0x3FB6] =	sst s8  }
0x11: {  	[smem:$0x3FB7] =	sst s9;
	s0 =	simm.s32 @!p0 $0x0  }
0x12: {  	s1 =	sld [smem:$0x3F9D];
	s0 =	simm.s32 @p0 $0x1  }
0x13: {  	[smem:$0x3FB8] =	sst s0;
	s0 =	simm.s32 @!p1 $0x0  }
0x14: {  	s2 =	sld [smem:$0x3F9C];
	s0 =	simm.s32 @p1 $0x1  }
0x15: {  	[smem:$0x3FB9] =	sst s0;
	s0 =	simm.s32 @!p2 $0x0  }
0x16: {  	s3 =	sld [smem:$0x3FDB];
	s0 =	simm.s32 @p2 $0x1  }
0x17: {  	s4 =	simm.s32 $0x1BF5;
	[smem:$0x3FBB] =	sst s0  }
0x18: {  	s0 =	sld [smem:$0x3F9E];
	_ =	swait.ge [sflag:s4], $0x0  }
0x19: {  	s7 =	sld [smem:$0x3F9F]  }
0x1a: {  	s8 =	sadd.s32 $0xFFFFE003, lr  }
0x1b: {  	s9 =	sadd.s32 $0xFFFFFEF7, lr;
	s5 =	simm.s32 $0xFFFFFFFF;
	p2 =	slt.u32 s8, $0xFFFFF086  }
0x1c: {  	p1 =	slt.u32 s9, $0xF7A;
	s5 =	simm.s32 @!p2 $0x0  }
0x1d: {  	s5 =	simm.s32 @p1 $0x1;
	p0 =	seq.s32 s7, s2  }
0x1e: {  	s7 =	smul.u32 @!p0 $0xF7A, s2;
	p2 =	seq.s32 @!p0 s5, $0x0  }
0x1f: {  	s9 =	smul.u32 $0xF7A, s1;
	s8 =	simm.s32 @!p0 $0x1BF5;
	p2 =	por !p2, p0  }
0x20: {  	[sflag:s8] =	ssyncset.s32 @!p0 $0xFFFFF086;
	s6 =	sadd.s32 @!p0 s3, s7;
	s7 =	simm.s32 @!p0 $0x108  }
0x21: {  	s3 =	sadd.s32 s3, s9;
	s6 =	sadd.s32 @!p0 $0x88, s6;
	s7 =	simm.s32 @p2 $0x1082  }
0x22: {  	[simem:s7], [sflag:s8] =	dma.local @!p0 [hbm:s6], $0xF7A  }
0x23: {  	s9 =	sor.u32 $0xD0000000, s2;
	s6 =	simm.s32 $0x108;
	_ =	swait.ge @!p0 [sflag:s8], $0x0  }
0x24: {  	s3 =	sadd.s32 $0x88, s3;
	s6 =	simm.s32 @!p1 $0x1082;
	[sflag:s4] =	ssyncset.s32 $0xFFFFF086  }
0x25: {  	[simem:s6], [sflag:s4] =	dma.local [hbm:s3], $0xF7A  }
0x26: {  	[smem:$0x3F9F] =	sst s1;
	(tag) =	ssettag s2;
	_ =	strace s9  }
0x27: {  	s1 =	sld [smem:$0x3FAF]  }
0x28: {  	s2 =	sld [smem:$0x3FB0]  }
0x29: {  	s4 =	sld [smem:$0x3FB2]  }
0x2a: {  	p0 =	seq.s32 s5, $0x0;
	s5 =	sld [smem:$0x3FB3]  }
0x2b: {  	s6 =	sld [smem:$0x3FB4]  }
0x2c: {  	s7 =	sld [smem:$0x3FB5]  }
0x2d: {  	s3 =	simm.s32 $0x108;
	s8 =	sld [smem:$0x3FB6]  }
0x2e: {  	s3 =	simm.s32 @!p0 $0x1082;
	s9 =	sld [smem:$0x3FB7]  }
0x2f: {  	lr =	sadd.s32 s0, s3;
	s0 =	sld [smem:$0x3FAE]  }
0x30: {  	s3 =	sld [smem:$0x3FB1]  }
0x31: {  	[smem:$0x3FBA] =	sst s10  }
0x32: {  	s10 =	sld [smem:$0x3FB8];
	_ =	sdelay $0x3  }
0x33: {  	p0 =	seq.s32 s10, $0x1;
	s10 =	sld [smem:$0x3FBA];
	_ =	sdelay $0x3  }
0x34: {  	[smem:$0x3FBA] =	sst s10  }
0x35: {  	s10 =	sld [smem:$0x3FB9];
	_ =	sdelay $0x3  }
0x36: {  	p1 =	seq.s32 s10, $0x1;
	s10 =	sld [smem:$0x3FBA];
	_ =	sdelay $0x3  }
0x37: {  	[smem:$0x3FBA] =	sst s10  }
0x38: {  	s10 =	sld [smem:$0x3FBB]  }
0x39: {  	_ = 	snop;
	(pc) =	sbr.ind lr, $3  }
0x3a: {  	_ = 	snop  }
0x3b: {  	_ = 	snop  }
0x3c: {  	p2 =	seq.s32 s10, $0x1;
	s10 =	sld [smem:$0x3FBA]  }
0x3d: {  	_ =	shalt  }
0x3e: {  	_ =	shalt  }
0x3f: {  	_ =	shalt  }
0x40: {  	_ =	shalt  }
0x41: {  	_ =	shalt  }
0x42: {  	_ =	shalt  }
0x43: {  	_ =	shalt  }
0x44: {  	_ =	shalt  }
0x45: {  	_ =	shalt  }
0x46: {  	_ =	shalt  }
0x47: {  	_ =	shalt  }
0x48: {  	_ =	shalt  }
0x49: {  	_ =	shalt  }
0x4a: {  	_ =	shalt  }
0x4b: {  	_ =	shalt  }
0x4c: {  	_ =	shalt  }
0x4d: {  	_ =	shalt  }
0x4e: {  	_ =	shalt  }
0x4f: {  	_ =	shalt  }
0x50: {  	_ =	shalt  }
0x51: {  	_ =	shalt  }
0x52: {  	_ =	shalt  }
0x53: {  	_ =	shalt  }
0x54: {  	_ =	shalt  }
0x55: {  	_ =	shalt  }
0x56: {  	_ =	shalt  }
0x57: {  	_ =	shalt  }
0x58: {  	_ =	shalt  }
0x59: {  	_ =	shalt  }
0x5a: {  	_ =	shalt  }
0x5b: {  	_ =	shalt  }
0x5c: {  	_ =	shalt  }
0x5d: {  	_ =	shalt  }
0x5e: {  	_ =	shalt  }
0x5f: {  	_ =	shalt  }
0x60: {  	_ =	shalt  }
0x61: {  	_ =	shalt  }
0x62: {  	_ =	shalt  }
0x63: {  	_ =	shalt  }
0x64: {  	_ =	shalt  }
0x65: {  	_ =	shalt  }
0x66: {  	_ =	shalt  }
0x67: {  	_ =	shalt  }
0x68: {  	_ =	shalt  }
0x69: {  	_ =	shalt  }
0x6a: {  	_ =	shalt  }
0x6b: {  	_ =	shalt  }
0x6c: {  	_ =	shalt  }
0x6d: {  	_ =	shalt  }
0x6e: {  	_ =	shalt  }
0x6f: {  	_ =	shalt  }
0x70: {  	_ =	shalt  }
0x71: {  	_ =	shalt  }
0x72: {  	_ =	shalt  }
0x73: {  	_ =	shalt  }
0x74: {  	_ =	shalt  }
0x75: {  	_ =	shalt  }
0x76: {  	_ =	shalt  }
0x77: {  	_ =	shalt  }
0x78: {  	_ =	shalt  }
0x79: {  	_ =	shalt  }
0x7a: {  	_ =	shalt  }
0x7b: {  	_ =	shalt  }
0x7c: {  	_ =	shalt  }
0x7d: {  	_ =	shalt  }
0x7e: {  	_ =	shalt  }
0x7f: {  	_ =	shalt  }
0x80: {  	_ =	shalt  }
0x81: {  	_ =	shalt  }
0x82: {  	_ =	shalt  }
0x83: {  	_ =	shalt  }
0x84: {  	_ =	shalt  }
0x85: {  	_ =	shalt  }
0x86: {  	_ =	shalt  }
0x87: {  	_ =	shalt  }
.Lfunc_end0:
.L_simem_size_0:
called_computation_lowered:
.L_overlay_start_0:
0x88: {  	s2 =	sld [smem:$0x3FD9]  }
0x89: {  	s3 =	sld [smem:$0x3FFE];
	_ =	sdelay $0x1  }
0x8a: {  	s1 =	srdreg.scid  }
0x8b: {  	s0 =	sand.u32 $0x1, s1  }
0x8c: {  	s17 =	sshll.u32 s0, $0xA;
	s2 =	sadd.s32 s3, s2  }
0x8d: {  	s2 =	sadd.s32 s2, s17  }
0x8e: {  	[smem:$0x3FC6] =	sst s2  }
0x8f: {  	_ = 	snop  }
0x90: {  	s2 =	sld [smem:$0x3FC8]  }
0x91: {  	s18 =	sld [smem:$0x3FD0];
	(tm) =	ssettm $0x1  }
0x92: {  	s4 =	sld [smem:$0x3FFB];
	_ =	sdelay $0x3  }
0x93: {  	_ =	strace s4  }
0x94: {  	s4 =	sld [smem:$0x3FFC];
	_ =	sdelay $0x3  }
0x95: {  	_ =	strace s4  }
0x96: {  	s4 =	sld [smem:$0x3FFD];
	_ =	sdelay $0x3  }
0x97: {  	_ =	strace s4  }
0x98: {  	_ =	strace $0x8FFFFFFF  }
0x99: {  	s19 =	sld [smem:$0x3FDB];
	_ =	sdelay $0x1  }
0x9a: {  	s5 =	simm.s32 $_scs_section_size  }
0x9b: {  	s6 =	simm.s32 $_size__tile_overlayer_lowered;
	s7 =	simm.s32 $_tile_overlayer_lowered  }
0x9c: {  	s22 =	simm.s32 $0x1BFF;
	s21 =	sshll.u32 s7, $0x1;
	s4 =	sadd.s32 s5, s19  }
0x9d: {  	s8 =	simm.s32 $0x0;
	s20 =	sshll.u32 s6, $0x1;
	s6 =	sadd.s32 s21, s4  }
0x9e: {  	[timem:s8], [sflag:s22] =	dma.local [hbm:s6], s20  }
0x9f: {  	_ =	swait.ge [sflag:s22], s20  }
0xa0: {  	s5 =	ssub.s32 $0x0, s20;
	[sflag:s22] =	ssyncset.done $0x0  }
0xa1: {  	[sflag:s22] =	ssyncadd.s32 s5;
	_ =	sdelay $0x1  }
0xa2: {  	s23 =	simm.s32 $0x1B8B  }
0xa3: {  	_ =	swait.ge [sflag:s23], $0x1  }
0xa4: {  	[sflag:s23] =	ssyncset.done $0x0  }
0xa5: {  	s25 =	simm.s32 $0x1B8E;
	s24 =	sld [smem:$0x3FFE];
	[sflag:s23] =	ssyncadd.s32 $0xFFFFFFFF  }
0xa6: {  	s26 =	simm.s32 $execute0_lowered;
	[smem:$0x3FD2] =	sst s25  }
0xa7: {  	s6 =	sshll.u32 s26, $0x1;
	_ =	strace $0x80000046;
	[dreg:$0x1] =	wrdreg $0xFFFFFFFF  }
0xa8: {  	s28 =	simm.s32 $_size_execute0_lowered;
	s4 =	sadd.s32 s4, s6;
	[dreg:$0x0] =	wrdreg $0x0  }
0xa9: {  	s6 =	sshll.u32 s28, $0x1;
	[dreg:$0x2] =	wrdreg s4  }
0xaa: {  	[dreg:$0x3] =	wrdreg s6  }
0xab: {  	[dreg:$0x4] =	wrdreg $0xC0  }
0xac: {  	_ =	task [dreg:s8], $0x5FFFF  }
0xad: {  	[dreg:$0x1] =	wrdreg $0xFFFFFFFF  }
0xae: {  	[dreg:$0x0] =	wrdreg $0x60  }
0xaf: {  	[dreg:$0x2] =	wrdreg s24  }
0xb0: {  	[dreg:$0x3] =	wrdreg s2  }
0xb1: {  	[dreg:$0x4] =	wrdreg s18  }
0xb2: {  	[dreg:$0x5] =	wrdreg $0x9  }
0xb3: {  	_ =	task.clear_ibuf [dreg:s8], $0x6FFFF;
	_ =	strace $0x90000046  }
0xb4: {  	s29 =	simm.s32 $0x9;
	_ =	strace $0x80000048  }
0xb5: {  	_ =	swait.ge [sflag:s29], $0x1  }
0xb6: {  	[sflag:s29] =	ssyncadd.s32 $0xFFFFFFFF  }
0xb7: {  	_ =	strace $0x90000048  }
0xb8: {  	_ =	sfence  }
0xb9: {  	s30 =	sld [smem:$0x0];
	_ =	sdelay $0x2  }
0xba: {  	s31 =	sshll.u32 s1, $0xD;
	s1 =	sshrl.u32 s1, $0x2  }
0xbb: {  	s3 =	sand.u32 $0x4000, s31;
	s1 =	sadd.s32 s1, s30  }
0xbc: {  	s0 =	sor.u32 s3, s0;
	s1 =	sshll.u32 s1, $0x11  }
0xbd: {  	s0 =	sor.u32 s1, s0  }
0xbe: {  	s0 =	sadd.s32 $0x8F2B, s0  }
0xbf: {  	[sflag:s0] =	ssyncadd.remote.s32 $0x1  }
0xc0: {  	_ =	sfence.sel $0xFFFF  }
0xc1: {  	[dreg:$0x0] =	wrdreg $0xFFFFFFFF;
	(pc) =	sbr.abs _section_cstart, $3  }
0xc2: {  	[dreg:$0x1] =	wrdreg $0xFFFFFFFF  }
0xc3: {  	_ =	task.clear_ibuf [dreg:s8], $0x2FFFF;
	_ =	strace $0x9FFFFFFF  }
0xc4: {  	(tm) =	ssettm $0x7FFFFFFF  }
0xc5: {  	_ =	shalt  }
tec
execute0_lowered:
.L_overlay_start_1:
0x0: {  	(tag) =	ssettag $0x1  }
0x1: {  	s4 =	rddreg [dreg:$0x0]  }
0x2: {  	s2 =	rddreg [dreg:$0x1]  }
0x3: {  	s5 =	rddreg [dreg:$0x2]  }
0x4: {  	s0 =	rddreg [dreg:$0x3]  }
0x5: {  	s6 =	srdreg.scid;
	s1 =	stileid.u32  }
0x6: {  	s3 =	simm.s32 $0x0;
	s10 =	simm.s32 $0x3800;
	s11 =	simm.s32 $0x6000  }
0x7: {  	s12 =	simm.s32 $0x8800;
	s13 =	simm.s32 $0x1;
	s14 =	simm.s32 $0xB000  }
0x8: {  	s15 =	simm.s32 $0x0;
	s6 =	sand.u32 $0x1, s6;
	s7 =	sshll.u32 s1, $0x1  }
0x9: {  	[smem:$0x7FF] =	sst s3;
	s7 =	sor.u32 s6, s7;
	s6 =	ssub.s32 $0x2, s6  }
0xa: {  	_ =	strace $0x80000047;
	s8 =	sshll.u32 s7, $0x9;
	s9 =	sshrl.u32 s6, $0x1  }
0xb: {  	s7 =	sshll.u32 s7, $0xB;
	s4 =	sadd.s32 s8, s4;
	s6 =	ssub.s32 s6, s9  }
0xc: {  	s5 =	sadd.s32 s5, s7;
	s7 =	simm.s32 $0x2;
	s8 =	simm.s32 $0x50  }
0xd: {  	s9 =	simm.s32 $0x1000;
	s4 =	sadd.s32 $0x400, s4;
	s6 =	smax.u32 s6, $0x1  }
.LBB2_1:
0xe: {  	s16 =	simm.s32 $0x0  }
.LBB2_2:
0xf: {  	s17 =	sshll.u32 s16, $0xE  }
0x10: {  	s18 =	sadd.s32 s17, s4;
	s17 =	simm.s32 $0x0  }
0x11: {  	[tilespmem:s17], [sflag:$0x2] =	stream.linear.gather [hbm4b:s18+s17], $0x1000, $0x38;
	[tilespmem:$0xB800] =	vst v63  }
0x12: {  	_ =	swait.ge [sflag:s7], $0x1000  }
0x13: {  	s31 =	sshll.u32 s16, $0x10;
	[sflag:s7] =	ssyncset.done $0x0  }
0x14: {  	s18 =	sadd.s32 s31, s5;
	[sflag:s7] =	ssyncadd.s32 $0xFFFFF000  }
.LBB2_3:
0x15: {  	s19 =	sshll.u32 s17, $0x9  }
0x16: {  	s19 =	sand.u32 $0x3FFFFE00, s19  }
0x17: {  	[tilespmem:s9], [sflag:$0x1] =	stream.indirect.gather [hbm4b:s2+s8], $0x80, s19, s8, $0xb8;
	[tilespmem:$0xB800] =	vst v63  }
0x18: {  	s20 =	sor.u32 $0x80, s19  }
0x19: {  	[tilespmem:s10], [sflag:$0x1] =	stream.indirect.gather [hbm4b:s2+s8], $0x80, s20, s8, $0xb8;
	[tilespmem:$0xB800] =	vst v63  }
0x1a: {  	s31 =	sor.u32 $0x100, s19  }
0x1b: {  	[tilespmem:s11], [sflag:$0x1] =	stream.indirect.gather [hbm4b:s2+s8], $0x80, s31, s8, $0xb8;
	[tilespmem:$0xB800] =	vst v63  }
0x1c: {  	s19 =	sor.u32 $0x180, s19  }
0x1d: {  	[tilespmem:s12], [sflag:$0x1] =	stream.indirect.gather [hbm4b:s2+s8], $0x80, s19, s8, $0xb8;
	[tilespmem:$0xB800] =	vst v63  }
0x1e: {  	_ =	swait.ge [sflag:s13], $0x2800  }
0x1f: {  	[sflag:s13] =	ssyncset.done $0x0  }
0x20: {  	[sflag:s13] =	ssyncadd.s32 $0xFFFFD800  }
0x21: {  	_ =	swait.ge [sflag:s13], $0x2800  }
0x22: {  	[sflag:s13] =	ssyncset.done $0x0  }
0x23: {  	[sflag:s13] =	ssyncadd.s32 $0xFFFFD800  }
0x24: {  	_ =	swait.ge [sflag:s13], $0x2800  }
0x25: {  	[sflag:s13] =	ssyncset.done $0x0  }
0x26: {  	[sflag:s13] =	ssyncadd.s32 $0xFFFFD800  }
0x27: {  	_ =	swait.ge [sflag:s13], $0x2800  }
0x28: {  	[sflag:s13] =	ssyncset.done $0x0  }
0x29: {  	s19 =	simm.s32 $0x1500;
	[sflag:s13] =	ssyncadd.s32 $0xFFFFD800  }
0x2a: {  	v0 =	vld [tilespmem:s19+$0xFFFFFB80]  }
0x2b: {  	v1 =	vld [tilespmem:s19+$0xFFFFFB00];
	_ =	sdelay $0x1  }
0x2c: {  	v2 =	vld [tilespmem:s19+$0xFFFFFC00];
	_ =	sdelay $0x1  }
0x2d: {  	v3 =	vld [tilespmem:s19+$0xFFFFFC80]  }
0x2e: {  	v0 =	vadd.f32 v0, v1  }
0x2f: {  	v1 =	vld [tilespmem:s19+$0xFFFFFD00]  }
0x30: {  	v0 =	vadd.f32 v2, v0  }
0x31: {  	v2 =	vld [tilespmem:s19+$0xFFFFFD80]  }
0x32: {  	v0 =	vadd.f32 v3, v0  }
0x33: {  	v3 =	vld [tilespmem:s19+$0xFFFFFE00]  }
0x34: {  	v0 =	vadd.f32 v1, v0  }
0x35: {  	v1 =	vld [tilespmem:s19+$0xFFFFFE80]  }
0x36: {  	v0 =	vadd.f32 v2, v0  }
0x37: {  	v2 =	vld [tilespmem:s19+$0xFFFFFF00]  }
0x38: {  	v0 =	vadd.f32 v3, v0  }
0x39: {  	v3 =	vld [tilespmem:s19+$0xFFFFFF80]  }
0x3a: {  	v0 =	vadd.f32 v1, v0  }
0x3b: {  	v1 =	vld [tilespmem:s19+$0x0]  }
0x3c: {  	v0 =	vadd.f32 v2, v0  }
0x3d: {  	v2 =	vld [tilespmem:s19+$0x80]  }
0x3e: {  	v0 =	vadd.f32 v3, v0  }
0x3f: {  	v3 =	vld [tilespmem:s19+$0x100]  }
0x40: {  	v0 =	vadd.f32 v1, v0  }
0x41: {  	v1 =	vld [tilespmem:s19+$0x180]  }
0x42: {  	v0 =	vadd.f32 v2, v0  }
0x43: {  	v2 =	vld [tilespmem:s19+$0x200]  }
0x44: {  	v0 =	vadd.f32 v3, v0  }
0x45: {  	v3 =	vld [tilespmem:s19+$0x280]  }
0x46: {  	v0 =	vadd.f32 v1, v0  }
0x47: {  	v1 =	vld [tilespmem:s19+$0x300]  }
0x48: {  	v0 =	vadd.f32 v2, v0  }
0x49: {  	v2 =	vld [tilespmem:s19+$0x380]  }
0x4a: {  	v0 =	vadd.f32 v3, v0  }
0x4b: {  	v3 =	vld [tilespmem:s19+$0x400]  }
0x4c: {  	v0 =	vadd.f32 v1, v0  }
0x4d: {  	v1 =	vld [tilespmem:s19+$0x480]  }
0x4e: {  	v0 =	vadd.f32 v2, v0;
	_ =	sdelay $0x1  }
0x4f: {  	v0 =	vadd.f32 v3, v0;
	_ =	sdelay $0x1  }
0x50: {  	v0 =	vadd.f32 v1, v0  }
0x51: {  	s20 =	simm.s32 $0x0  }
0x52: {  	[tilespmem:s20+$0xB000] =	vst v0  }
0x53: {  	v0 =	vld [tilespmem:s19+$0xFFFFFB10]  }
0x54: {  	v1 =	vld [tilespmem:s19+$0xFFFFFB90];
	_ =	sdelay $0x1  }
0x55: {  	v2 =	vld [tilespmem:s19+$0xFFFFFC10];
	_ =	sdelay $0x1  }
0x56: {  	v3 =	vld [tilespmem:s19+$0xFFFFFC90]  }
0x57: {  	v0 =	vadd.f32 v1, v0  }
0x58: {  	v1 =	vld [tilespmem:s19+$0xFFFFFD10]  }
0x59: {  	v0 =	vadd.f32 v2, v0  }
0x5a: {  	v2 =	vld [tilespmem:s19+$0xFFFFFD90]  }
0x5b: {  	v0 =	vadd.f32 v3, v0  }
0x5c: {  	v3 =	vld [tilespmem:s19+$0xFFFFFE10]  }
0x5d: {  	v0 =	vadd.f32 v1, v0  }
0x5e: {  	v1 =	vld [tilespmem:s19+$0xFFFFFE90]  }
0x5f: {  	v0 =	vadd.f32 v2, v0  }
0x60: {  	v2 =	vld [tilespmem:s19+$0xFFFFFF10]  }
0x61: {  	v0 =	vadd.f32 v3, v0  }
0x62: {  	v3 =	vld [tilespmem:s19+$0xFFFFFF90]  }
0x63: {  	v0 =	vadd.f32 v1, v0  }
0x64: {  	v1 =	vld [tilespmem:s19+$0x10]  }
0x65: {  	v0 =	vadd.f32 v2, v0  }
0x66: {  	v2 =	vld [tilespmem:s19+$0x90]  }
0x67: {  	v0 =	vadd.f32 v3, v0  }
0x68: {  	v3 =	vld [tilespmem:s19+$0x110]  }
0x69: {  	v0 =	vadd.f32 v1, v0  }
0x6a: {  	v1 =	vld [tilespmem:s19+$0x190]  }
0x6b: {  	v0 =	vadd.f32 v2, v0  }
0x6c: {  	v2 =	vld [tilespmem:s19+$0x210]  }
0x6d: {  	v0 =	vadd.f32 v3, v0  }
0x6e: {  	v3 =	vld [tilespmem:s19+$0x290]  }
0x6f: {  	v0 =	vadd.f32 v1, v0  }
0x70: {  	v1 =	vld [tilespmem:s19+$0x310]  }
0x71: {  	v0 =	vadd.f32 v2, v0  }
0x72: {  	v2 =	vld [tilespmem:s19+$0x390]  }
0x73: {  	v0 =	vadd.f32 v3, v0  }
0x74: {  	v3 =	vld [tilespmem:s19+$0x410]  }
0x75: {  	v0 =	vadd.f32 v1, v0  }
0x76: {  	v1 =	vld [tilespmem:s19+$0x490]  }
0x77: {  	v0 =	vadd.f32 v2, v0;
	_ =	sdelay $0x1  }
0x78: {  	v0 =	vadd.f32 v3, v0;
	_ =	sdelay $0x1  }
0x79: {  	v0 =	vadd.f32 v1, v0;
	_ =	sdelay $0x1  }
0x7a: {  	[tilespmem:s20+$0xB010] =	vst v0  }
0x7b: {  	v0 =	vld [tilespmem:s19+$0xFFFFFB20]  }
0x7c: {  	v1 =	vld [tilespmem:s19+$0xFFFFFBA0];
	_ =	sdelay $0x1  }
0x7d: {  	v2 =	vld [tilespmem:s19+$0xFFFFFC20];
	_ =	sdelay $0x1  }
0x7e: {  	v3 =	vld [tilespmem:s19+$0xFFFFFCA0]  }
0x7f: {  	v0 =	vadd.f32 v1, v0  }
0x80: {  	v1 =	vld [tilespmem:s19+$0xFFFFFD20]  }
0x81: {  	v0 =	vadd.f32 v2, v0  }
0x82: {  	v2 =	vld [tilespmem:s19+$0xFFFFFDA0]  }
0x83: {  	v0 =	vadd.f32 v3, v0  }
0x84: {  	v3 =	vld [tilespmem:s19+$0xFFFFFE20]  }
0x85: {  	v0 =	vadd.f32 v1, v0  }
0x86: {  	v1 =	vld [tilespmem:s19+$0xFFFFFEA0]  }
0x87: {  	v0 =	vadd.f32 v2, v0  }
0x88: {  	v2 =	vld [tilespmem:s19+$0xFFFFFF20]  }
0x89: {  	v0 =	vadd.f32 v3, v0  }
0x8a: {  	v3 =	vld [tilespmem:s19+$0xFFFFFFA0]  }
0x8b: {  	v0 =	vadd.f32 v1, v0  }
0x8c: {  	v1 =	vld [tilespmem:s19+$0x20]  }
0x8d: {  	v0 =	vadd.f32 v2, v0  }
0x8e: {  	v2 =	vld [tilespmem:s19+$0xA0]  }
0x8f: {  	v0 =	vadd.f32 v3, v0  }
0x90: {  	v3 =	vld [tilespmem:s19+$0x120]  }
0x91: {  	v0 =	vadd.f32 v1, v0  }
0x92: {  	v1 =	vld [tilespmem:s19+$0x1A0]  }
0x93: {  	v0 =	vadd.f32 v2, v0  }
0x94: {  	v2 =	vld [tilespmem:s19+$0x220]  }
0x95: {  	v0 =	vadd.f32 v3, v0  }
0x96: {  	v3 =	vld [tilespmem:s19+$0x2A0]  }
0x97: {  	v0 =	vadd.f32 v1, v0  }
0x98: {  	v1 =	vld [tilespmem:s19+$0x320]  }
0x99: {  	v0 =	vadd.f32 v2, v0  }
0x9a: {  	v2 =	vld [tilespmem:s19+$0x3A0]  }
0x9b: {  	v0 =	vadd.f32 v3, v0  }
0x9c: {  	v3 =	vld [tilespmem:s19+$0x420]  }
0x9d: {  	v0 =	vadd.f32 v1, v0  }
0x9e: {  	v1 =	vld [tilespmem:s19+$0x4A0]  }
0x9f: {  	v0 =	vadd.f32 v2, v0;
	_ =	sdelay $0x1  }
0xa0: {  	v0 =	vadd.f32 v3, v0;
	_ =	sdelay $0x1  }
0xa1: {  	v0 =	vadd.f32 v1, v0;
	_ =	sdelay $0x1  }
0xa2: {  	[tilespmem:s20+$0xB020] =	vst v0  }
0xa3: {  	v0 =	vld [tilespmem:s19+$0xFFFFFB30]  }
0xa4: {  	v1 =	vld [tilespmem:s19+$0xFFFFFBB0];
	_ =	sdelay $0x1  }
0xa5: {  	v2 =	vld [tilespmem:s19+$0xFFFFFC30];
	_ =	sdelay $0x1  }
0xa6: {  	v3 =	vld [tilespmem:s19+$0xFFFFFCB0]  }
0xa7: {  	v0 =	vadd.f32 v1, v0  }
0xa8: {  	v1 =	vld [tilespmem:s19+$0xFFFFFD30]  }
0xa9: {  	v0 =	vadd.f32 v2, v0  }
0xaa: {  	v2 =	vld [tilespmem:s19+$0xFFFFFDB0]  }
0xab: {  	v0 =	vadd.f32 v3, v0  }
0xac: {  	v3 =	vld [tilespmem:s19+$0xFFFFFE30]  }
0xad: {  	v0 =	vadd.f32 v1, v0  }
0xae: {  	v1 =	vld [tilespmem:s19+$0xFFFFFEB0]  }
0xaf: {  	v0 =	vadd.f32 v2, v0  }
0xb0: {  	v2 =	vld [tilespmem:s19+$0xFFFFFF30]  }
0xb1: {  	v0 =	vadd.f32 v3, v0  }
0xb2: {  	v3 =	vld [tilespmem:s19+$0xFFFFFFB0]  }
0xb3: {  	v0 =	vadd.f32 v1, v0  }
0xb4: {  	v1 =	vld [tilespmem:s19+$0x30]  }
0xb5: {  	v0 =	vadd.f32 v2, v0  }
0xb6: {  	v2 =	vld [tilespmem:s19+$0xB0]  }
0xb7: {  	v0 =	vadd.f32 v3, v0  }
0xb8: {  	v3 =	vld [tilespmem:s19+$0x130]  }
0xb9: {  	v0 =	vadd.f32 v1, v0  }
0xba: {  	v1 =	vld [tilespmem:s19+$0x1B0]  }
0xbb: {  	v0 =	vadd.f32 v2, v0  }
0xbc: {  	v2 =	vld [tilespmem:s19+$0x230]  }
0xbd: {  	v0 =	vadd.f32 v3, v0  }
0xbe: {  	v3 =	vld [tilespmem:s19+$0x2B0]  }
0xbf: {  	v0 =	vadd.f32 v1, v0  }
0xc0: {  	v1 =	vld [tilespmem:s19+$0x330]  }
0xc1: {  	v0 =	vadd.f32 v2, v0  }
0xc2: {  	v2 =	vld [tilespmem:s19+$0x3B0]  }
0xc3: {  	v0 =	vadd.f32 v3, v0  }
0xc4: {  	v3 =	vld [tilespmem:s19+$0x430]  }
0xc5: {  	v0 =	vadd.f32 v1, v0  }
0xc6: {  	v1 =	vld [tilespmem:s19+$0x4B0]  }
0xc7: {  	v0 =	vadd.f32 v2, v0;
	_ =	sdelay $0x1  }
0xc8: {  	v0 =	vadd.f32 v3, v0;
	_ =	sdelay $0x1  }
0xc9: {  	v0 =	vadd.f32 v1, v0;
	_ =	sdelay $0x1  }
0xca: {  	[tilespmem:s20+$0xB030] =	vst v0  }
0xcb: {  	v0 =	vld [tilespmem:s19+$0xFFFFFB40]  }
0xcc: {  	v1 =	vld [tilespmem:s19+$0xFFFFFBC0];
	_ =	sdelay $0x1  }
0xcd: {  	v2 =	vld [tilespmem:s19+$0xFFFFFC40];
	_ =	sdelay $0x1  }
0xce: {  	v3 =	vld [tilespmem:s19+$0xFFFFFCC0]  }
0xcf: {  	v0 =	vadd.f32 v1, v0  }
0xd0: {  	v1 =	vld [tilespmem:s19+$0xFFFFFD40]  }
0xd1: {  	v0 =	vadd.f32 v2, v0  }
0xd2: {  	v2 =	vld [tilespmem:s19+$0xFFFFFDC0]  }
0xd3: {  	v0 =	vadd.f32 v3, v0  }
0xd4: {  	v3 =	vld [tilespmem:s19+$0xFFFFFE40]  }
0xd5: {  	v0 =	vadd.f32 v1, v0  }
0xd6: {  	v1 =	vld [tilespmem:s19+$0xFFFFFEC0]  }
0xd7: {  	v0 =	vadd.f32 v2, v0  }
0xd8: {  	v2 =	vld [tilespmem:s19+$0xFFFFFF40]  }
0xd9: {  	v0 =	vadd.f32 v3, v0  }
0xda: {  	v3 =	vld [tilespmem:s19+$0xFFFFFFC0]  }
0xdb: {  	v0 =	vadd.f32 v1, v0  }
0xdc: {  	v1 =	vld [tilespmem:s19+$0x40]  }
0xdd: {  	v0 =	vadd.f32 v2, v0  }
0xde: {  	v2 =	vld [tilespmem:s19+$0xC0]  }
0xdf: {  	v0 =	vadd.f32 v3, v0  }
0xe0: {  	v3 =	vld [tilespmem:s19+$0x140]  }
0xe1: {  	v0 =	vadd.f32 v1, v0  }
0xe2: {  	v1 =	vld [tilespmem:s19+$0x1C0]  }
0xe3: {  	v0 =	vadd.f32 v2, v0  }
0xe4: {  	v2 =	vld [tilespmem:s19+$0x240]  }
0xe5: {  	v0 =	vadd.f32 v3, v0  }
0xe6: {  	v3 =	vld [tilespmem:s19+$0x2C0]  }
0xe7: {  	v0 =	vadd.f32 v1, v0  }
0xe8: {  	v1 =	vld [tilespmem:s19+$0x340]  }
0xe9: {  	v0 =	vadd.f32 v2, v0  }
0xea: {  	v2 =	vld [tilespmem:s19+$0x3C0]  }
0xeb: {  	v0 =	vadd.f32 v3, v0  }
0xec: {  	v3 =	vld [tilespmem:s19+$0x440]  }
0xed: {  	v0 =	vadd.f32 v1, v0  }
0xee: {  	v1 =	vld [tilespmem:s19+$0x4C0]  }
0xef: {  	v0 =	vadd.f32 v2, v0;
	_ =	sdelay $0x1  }
0xf0: {  	v0 =	vadd.f32 v3, v0;
	_ =	sdelay $0x1  }
0xf1: {  	v0 =	vadd.f32 v1, v0;
	_ =	sdelay $0x1  }
0xf2: {  	[tilespmem:s20+$0xB040] =	vst v0  }
0xf3: {  	v0 =	vld [tilespmem:s19+$0xFFFFFB50]  }
0xf4: {  	v1 =	vld [tilespmem:s19+$0xFFFFFBD0];
	_ =	sdelay $0x1  }
0xf5: {  	v2 =	vld [tilespmem:s19+$0xFFFFFC50];
	_ =	sdelay $0x1  }
0xf6: {  	v3 =	vld [tilespmem:s19+$0xFFFFFCD0]  }
0xf7: {  	v0 =	vadd.f32 v1, v0  }
0xf8: {  	v1 =	vld [tilespmem:s19+$0xFFFFFD50]  }
0xf9: {  	v0 =	vadd.f32 v2, v0  }
0xfa: {  	v2 =	vld [tilespmem:s19+$0xFFFFFDD0]  }
0xfb: {  	v0 =	vadd.f32 v3, v0  }
0xfc: {  	v3 =	vld [tilespmem:s19+$0xFFFFFE50]  }
0xfd: {  	v0 =	vadd.f32 v1, v0  }
0xfe: {  	v1 =	vld [tilespmem:s19+$0xFFFFFED0]  }
0xff: {  	v0 =	vadd.f32 v2, v0  }
0x100: {  	v2 =	vld [tilespmem:s19+$0xFFFFFF50]  }
0x101: {  	v0 =	vadd.f32 v3, v0  }
0x102: {  	v3 =	vld [tilespmem:s19+$0xFFFFFFD0]  }
0x103: {  	v0 =	vadd.f32 v1, v0  }
0x104: {  	v1 =	vld [tilespmem:s19+$0x50]  }
0x105: {  	v0 =	vadd.f32 v2, v0  }
0x106: {  	v2 =	vld [tilespmem:s19+$0xD0]  }
0x107: {  	v0 =	vadd.f32 v3, v0  }
0x108: {  	v3 =	vld [tilespmem:s19+$0x150]  }
0x109: {  	v0 =	vadd.f32 v1, v0  }
0x10a: {  	v1 =	vld [tilespmem:s19+$0x1D0]  }
0x10b: {  	v0 =	vadd.f32 v2, v0  }
0x10c: {  	v2 =	vld [tilespmem:s19+$0x250]  }
0x10d: {  	v0 =	vadd.f32 v3, v0  }
0x10e: {  	v3 =	vld [tilespmem:s19+$0x2D0]  }
0x10f: {  	v0 =	vadd.f32 v1, v0  }
0x110: {  	v1 =	vld [tilespmem:s19+$0x350]  }
0x111: {  	v0 =	vadd.f32 v2, v0  }
0x112: {  	v2 =	vld [tilespmem:s19+$0x3D0]  }
0x113: {  	v0 =	vadd.f32 v3, v0  }
0x114: {  	v3 =	vld [tilespmem:s19+$0x450]  }
0x115: {  	v0 =	vadd.f32 v1, v0  }
0x116: {  	v1 =	vld [tilespmem:s19+$0x4D0]  }
0x117: {  	v0 =	vadd.f32 v2, v0;
	_ =	sdelay $0x1  }
0x118: {  	v0 =	vadd.f32 v3, v0;
	_ =	sdelay $0x1  }
0x119: {  	v0 =	vadd.f32 v1, v0;
	_ =	sdelay $0x1  }
0x11a: {  	[tilespmem:s20+$0xB050] =	vst v0  }
0x11b: {  	v0 =	vld [tilespmem:s19+$0xFFFFFB60]  }
0x11c: {  	v1 =	vld [tilespmem:s19+$0xFFFFFBE0];
	_ =	sdelay $0x1  }
0x11d: {  	v2 =	vld [tilespmem:s19+$0xFFFFFC60];
	_ =	sdelay $0x1  }
0x11e: {  	v3 =	vld [tilespmem:s19+$0xFFFFFCE0]  }
0x11f: {  	v0 =	vadd.f32 v1, v0  }
0x120: {  	v1 =	vld [tilespmem:s19+$0xFFFFFD60]  }
0x121: {  	v0 =	vadd.f32 v2, v0  }
0x122: {  	v2 =	vld [tilespmem:s19+$0xFFFFFDE0]  }
0x123: {  	v0 =	vadd.f32 v3, v0  }
0x124: {  	v3 =	vld [tilespmem:s19+$0xFFFFFE60]  }
0x125: {  	v0 =	vadd.f32 v1, v0  }
0x126: {  	v1 =	vld [tilespmem:s19+$0xFFFFFEE0]  }
0x127: {  	v0 =	vadd.f32 v2, v0  }
0x128: {  	v2 =	vld [tilespmem:s19+$0xFFFFFF60]  }
0x129: {  	v0 =	vadd.f32 v3, v0  }
0x12a: {  	v3 =	vld [tilespmem:s19+$0xFFFFFFE0]  }
0x12b: {  	v0 =	vadd.f32 v1, v0  }
0x12c: {  	v1 =	vld [tilespmem:s19+$0x60]  }
0x12d: {  	v0 =	vadd.f32 v2, v0  }
0x12e: {  	v2 =	vld [tilespmem:s19+$0xE0]  }
0x12f: {  	v0 =	vadd.f32 v3, v0  }
0x130: {  	v3 =	vld [tilespmem:s19+$0x160]  }
0x131: {  	v0 =	vadd.f32 v1, v0  }
0x132: {  	v1 =	vld [tilespmem:s19+$0x1E0]  }
0x133: {  	v0 =	vadd.f32 v2, v0  }
0x134: {  	v2 =	vld [tilespmem:s19+$0x260]  }
0x135: {  	v0 =	vadd.f32 v3, v0  }
0x136: {  	v3 =	vld [tilespmem:s19+$0x2E0]  }
0x137: {  	v0 =	vadd.f32 v1, v0  }
0x138: {  	v1 =	vld [tilespmem:s19+$0x360]  }
0x139: {  	v0 =	vadd.f32 v2, v0  }
0x13a: {  	v2 =	vld [tilespmem:s19+$0x3E0]  }
0x13b: {  	v0 =	vadd.f32 v3, v0  }
0x13c: {  	v3 =	vld [tilespmem:s19+$0x460]  }
0x13d: {  	v0 =	vadd.f32 v1, v0  }
0x13e: {  	v1 =	vld [tilespmem:s19+$0x4E0]  }
0x13f: {  	v0 =	vadd.f32 v2, v0;
	_ =	sdelay $0x1  }
0x140: {  	v0 =	vadd.f32 v3, v0;
	_ =	sdelay $0x1  }
0x141: {  	v0 =	vadd.f32 v1, v0;
	_ =	sdelay $0x1  }
0x142: {  	[tilespmem:s20+$0xB060] =	vst v0  }
0x143: {  	v0 =	vld [tilespmem:s19+$0xFFFFFB70]  }
0x144: {  	v1 =	vld [tilespmem:s19+$0xFFFFFBF0];
	_ =	sdelay $0x1  }
0x145: {  	v2 =	vld [tilespmem:s19+$0xFFFFFC70];
	_ =	sdelay $0x1  }
0x146: {  	v3 =	vld [tilespmem:s19+$0xFFFFFCF0]  }
0x147: {  	v0 =	vadd.f32 v1, v0  }
0x148: {  	v1 =	vld [tilespmem:s19+$0xFFFFFD70]  }
0x149: {  	v0 =	vadd.f32 v2, v0  }
0x14a: {  	v2 =	vld [tilespmem:s19+$0xFFFFFDF0]  }
0x14b: {  	v0 =	vadd.f32 v3, v0  }
0x14c: {  	v3 =	vld [tilespmem:s19+$0xFFFFFE70]  }
0x14d: {  	v0 =	vadd.f32 v1, v0  }
0x14e: {  	v1 =	vld [tilespmem:s19+$0xFFFFFEF0]  }
0x14f: {  	v0 =	vadd.f32 v2, v0  }
0x150: {  	v2 =	vld [tilespmem:s19+$0xFFFFFF70]  }
0x151: {  	v0 =	vadd.f32 v3, v0  }
0x152: {  	v3 =	vld [tilespmem:s19+$0xFFFFFFF0]  }
0x153: {  	v0 =	vadd.f32 v1, v0  }
0x154: {  	v1 =	vld [tilespmem:s19+$0x70]  }
0x155: {  	v0 =	vadd.f32 v2, v0  }
0x156: {  	v2 =	vld [tilespmem:s19+$0xF0]  }
0x157: {  	v0 =	vadd.f32 v3, v0  }
0x158: {  	v3 =	vld [tilespmem:s19+$0x170]  }
0x159: {  	v0 =	vadd.f32 v1, v0  }
0x15a: {  	v1 =	vld [tilespmem:s19+$0x1F0]  }
0x15b: {  	v0 =	vadd.f32 v2, v0  }
0x15c: {  	v2 =	vld [tilespmem:s19+$0x270]  }
0x15d: {  	v0 =	vadd.f32 v3, v0  }
0x15e: {  	v4 =	vld [tilespmem:s19+$0x2F0]  }
0x15f: {  	v1 =	vadd.f32 v1, v0  }
0x160: {  	v3 =	vld [tilespmem:s19+$0x370]  }
0x161: {  	v0 =	vld [tilespmem:s19+$0x3F0];
	v5 =	vadd.f32 v2, v1  }
0x162: {  	v1 =	vld [tilespmem:s19+$0x470]  }
0x163: {  	s21 =	simm.s32 $0x200;
	v2 =	vld [tilespmem:s19+$0x4F0];
	v4 =	vadd.f32 v4, v5  }
.LBB2_4:
0x164: {  	p0 =	sne.s32 s21, $0x1E00  }
0x165: {  	s19 =	sadd.s32 $0xA00, s19;
	s22 =	smov.u32 s21;
	s21 =	sadd.s32 $0x200, s21;
	v3 =	vadd.f32 v3, v4  }
0x166: {  	_ = 	snop  }
0x167: {  	v0 =	vadd.f32 v0, v3;
	_ =	sdelay $0x1  }
0x168: {  	v0 =	vadd.f32 v1, v0;
	_ =	sdelay $0x1  }
0x169: {  	v0 =	vadd.f32 v2, v0;
	_ =	sdelay $0x1  }
0x16a: {  	[tilespmem:s20+$0xB070] =	vst v0  }
0x16b: {  	v0 =	vld [tilespmem:s19+$0xFFFFFB80]  }
0x16c: {  	v1 =	vld [tilespmem:s19+$0xFFFFFB00]  }
0x16d: {  	v2 =	vld [tilespmem:s19+$0xFFFFFC00];
	_ =	sdelay $0x2  }
0x16e: {  	v3 =	vld [tilespmem:s19+$0xFFFFFC80]  }
0x16f: {  	v0 =	vadd.f32 v0, v1  }
0x170: {  	v1 =	vld [tilespmem:s19+$0xFFFFFD00]  }
0x171: {  	v0 =	vadd.f32 v2, v0  }
0x172: {  	v2 =	vld [tilespmem:s19+$0xFFFFFD80]  }
0x173: {  	v0 =	vadd.f32 v3, v0  }
0x174: {  	v3 =	vld [tilespmem:s19+$0xFFFFFE00]  }
0x175: {  	v0 =	vadd.f32 v1, v0  }
0x176: {  	v1 =	vld [tilespmem:s19+$0xFFFFFE80]  }
0x177: {  	v0 =	vadd.f32 v2, v0  }
0x178: {  	v2 =	vld [tilespmem:s19+$0xFFFFFF00]  }
0x179: {  	v0 =	vadd.f32 v3, v0  }
0x17a: {  	v3 =	vld [tilespmem:s19+$0xFFFFFF80]  }
0x17b: {  	v0 =	vadd.f32 v1, v0  }
0x17c: {  	v1 =	vld [tilespmem:s19+$0x0]  }
0x17d: {  	v0 =	vadd.f32 v2, v0  }
0x17e: {  	v2 =	vld [tilespmem:s19+$0x80]  }
0x17f: {  	v0 =	vadd.f32 v3, v0  }
0x180: {  	v3 =	vld [tilespmem:s19+$0x100]  }
0x181: {  	v0 =	vadd.f32 v1, v0  }
0x182: {  	v1 =	vld [tilespmem:s19+$0x180]  }
0x183: {  	v0 =	vadd.f32 v2, v0  }
0x184: {  	v2 =	vld [tilespmem:s19+$0x200]  }
0x185: {  	v0 =	vadd.f32 v3, v0  }
0x186: {  	v3 =	vld [tilespmem:s19+$0x280]  }
0x187: {  	v0 =	vadd.f32 v1, v0  }
0x188: {  	v1 =	vld [tilespmem:s19+$0x300]  }
0x189: {  	v0 =	vadd.f32 v2, v0  }
0x18a: {  	v2 =	vld [tilespmem:s19+$0x380]  }
0x18b: {  	v0 =	vadd.f32 v3, v0  }
0x18c: {  	v3 =	vld [tilespmem:s19+$0x400]  }
0x18d: {  	v0 =	vadd.f32 v1, v0  }
0x18e: {  	v1 =	vld [tilespmem:s19+$0x480]  }
0x18f: {  	v0 =	vadd.f32 v2, v0;
	_ =	sdelay $0x1  }
0x190: {  	v0 =	vadd.f32 v3, v0;
	_ =	sdelay $0x1  }
0x191: {  	v0 =	vadd.f32 v1, v0  }
0x192: {  	s20 =	sshra.s32 s22, $0x2  }
0x193: {  	[tilespmem:s20+$0xB000] =	vst v0  }
0x194: {  	v0 =	vld [tilespmem:s19+$0xFFFFFB10]  }
0x195: {  	v1 =	vld [tilespmem:s19+$0xFFFFFB90];
	_ =	sdelay $0x1  }
0x196: {  	v2 =	vld [tilespmem:s19+$0xFFFFFC10];
	_ =	sdelay $0x1  }
0x197: {  	v3 =	vld [tilespmem:s19+$0xFFFFFC90]  }
0x198: {  	v0 =	vadd.f32 v1, v0  }
0x199: {  	v1 =	vld [tilespmem:s19+$0xFFFFFD10]  }
0x19a: {  	v0 =	vadd.f32 v2, v0  }
0x19b: {  	v2 =	vld [tilespmem:s19+$0xFFFFFD90]  }
0x19c: {  	v0 =	vadd.f32 v3, v0  }
0x19d: {  	v3 =	vld [tilespmem:s19+$0xFFFFFE10]  }
0x19e: {  	v0 =	vadd.f32 v1, v0  }
0x19f: {  	v1 =	vld [tilespmem:s19+$0xFFFFFE90]  }
0x1a0: {  	v0 =	vadd.f32 v2, v0  }
0x1a1: {  	v2 =	vld [tilespmem:s19+$0xFFFFFF10]  }
0x1a2: {  	v0 =	vadd.f32 v3, v0  }
0x1a3: {  	v3 =	vld [tilespmem:s19+$0xFFFFFF90]  }
0x1a4: {  	v0 =	vadd.f32 v1, v0  }
0x1a5: {  	v1 =	vld [tilespmem:s19+$0x10]  }
0x1a6: {  	v0 =	vadd.f32 v2, v0  }
0x1a7: {  	v2 =	vld [tilespmem:s19+$0x90]  }
0x1a8: {  	v0 =	vadd.f32 v3, v0  }
0x1a9: {  	v3 =	vld [tilespmem:s19+$0x110]  }
0x1aa: {  	v0 =	vadd.f32 v1, v0  }
0x1ab: {  	v1 =	vld [tilespmem:s19+$0x190]  }
0x1ac: {  	v0 =	vadd.f32 v2, v0  }
0x1ad: {  	v2 =	vld [tilespmem:s19+$0x210]  }
0x1ae: {  	v0 =	vadd.f32 v3, v0  }
0x1af: {  	v3 =	vld [tilespmem:s19+$0x290]  }
0x1b0: {  	v0 =	vadd.f32 v1, v0  }
0x1b1: {  	v1 =	vld [tilespmem:s19+$0x310]  }
0x1b2: {  	v0 =	vadd.f32 v2, v0  }
0x1b3: {  	v2 =	vld [tilespmem:s19+$0x390]  }
0x1b4: {  	v0 =	vadd.f32 v3, v0  }
0x1b5: {  	v3 =	vld [tilespmem:s19+$0x410]  }
0x1b6: {  	v0 =	vadd.f32 v1, v0  }
0x1b7: {  	v1 =	vld [tilespmem:s19+$0x490]  }
0x1b8: {  	v0 =	vadd.f32 v2, v0;
	_ =	sdelay $0x1  }
0x1b9: {  	v0 =	vadd.f32 v3, v0;
	_ =	sdelay $0x1  }
0x1ba: {  	v0 =	vadd.f32 v1, v0;
	_ =	sdelay $0x1  }
0x1bb: {  	[tilespmem:s20+$0xB010] =	vst v0  }
0x1bc: {  	v0 =	vld [tilespmem:s19+$0xFFFFFB20]  }
0x1bd: {  	v1 =	vld [tilespmem:s19+$0xFFFFFBA0];
	_ =	sdelay $0x1  }
0x1be: {  	v2 =	vld [tilespmem:s19+$0xFFFFFC20];
	_ =	sdelay $0x1  }
0x1bf: {  	v3 =	vld [tilespmem:s19+$0xFFFFFCA0]  }
0x1c0: {  	v0 =	vadd.f32 v1, v0  }
0x1c1: {  	v1 =	vld [tilespmem:s19+$0xFFFFFD20]  }
0x1c2: {  	v0 =	vadd.f32 v2, v0  }
0x1c3: {  	v2 =	vld [tilespmem:s19+$0xFFFFFDA0]  }
0x1c4: {  	v0 =	vadd.f32 v3, v0  }
0x1c5: {  	v3 =	vld [tilespmem:s19+$0xFFFFFE20]  }
0x1c6: {  	v0 =	vadd.f32 v1, v0  }
0x1c7: {  	v1 =	vld [tilespmem:s19+$0xFFFFFEA0]  }
0x1c8: {  	v0 =	vadd.f32 v2, v0  }
0x1c9: {  	v2 =	vld [tilespmem:s19+$0xFFFFFF20]  }
0x1ca: {  	v0 =	vadd.f32 v3, v0  }
0x1cb: {  	v3 =	vld [tilespmem:s19+$0xFFFFFFA0]  }
0x1cc: {  	v0 =	vadd.f32 v1, v0  }
0x1cd: {  	v1 =	vld [tilespmem:s19+$0x20]  }
0x1ce: {  	v0 =	vadd.f32 v2, v0  }
0x1cf: {  	v2 =	vld [tilespmem:s19+$0xA0]  }
0x1d0: {  	v0 =	vadd.f32 v3, v0  }
0x1d1: {  	v3 =	vld [tilespmem:s19+$0x120]  }
0x1d2: {  	v0 =	vadd.f32 v1, v0  }
0x1d3: {  	v1 =	vld [tilespmem:s19+$0x1A0]  }
0x1d4: {  	v0 =	vadd.f32 v2, v0  }
0x1d5: {  	v2 =	vld [tilespmem:s19+$0x220]  }
0x1d6: {  	v0 =	vadd.f32 v3, v0  }
0x1d7: {  	v3 =	vld [tilespmem:s19+$0x2A0]  }
0x1d8: {  	v0 =	vadd.f32 v1, v0  }
0x1d9: {  	v1 =	vld [tilespmem:s19+$0x320]  }
0x1da: {  	v0 =	vadd.f32 v2, v0  }
0x1db: {  	v2 =	vld [tilespmem:s19+$0x3A0]  }
0x1dc: {  	v0 =	vadd.f32 v3, v0  }
0x1dd: {  	v3 =	vld [tilespmem:s19+$0x420]  }
0x1de: {  	v0 =	vadd.f32 v1, v0  }
0x1df: {  	v1 =	vld [tilespmem:s19+$0x4A0]  }
0x1e0: {  	v0 =	vadd.f32 v2, v0;
	_ =	sdelay $0x1  }
0x1e1: {  	v0 =	vadd.f32 v3, v0;
	_ =	sdelay $0x1  }
0x1e2: {  	v0 =	vadd.f32 v1, v0;
	_ =	sdelay $0x1  }
0x1e3: {  	[tilespmem:s20+$0xB020] =	vst v0  }
0x1e4: {  	v0 =	vld [tilespmem:s19+$0xFFFFFB30]  }
0x1e5: {  	v1 =	vld [tilespmem:s19+$0xFFFFFBB0]  }
0x1e6: {  	v2 =	vld [tilespmem:s19+$0xFFFFFC30];
	_ =	sdelay $0x2  }
0x1e7: {  	v3 =	vld [tilespmem:s19+$0xFFFFFCB0]  }
0x1e8: {  	v0 =	vadd.f32 v1, v0  }
0x1e9: {  	v1 =	vld [tilespmem:s19+$0xFFFFFD30]  }
0x1ea: {  	v0 =	vadd.f32 v2, v0  }
0x1eb: {  	v2 =	vld [tilespmem:s19+$0xFFFFFDB0]  }
0x1ec: {  	v0 =	vadd.f32 v3, v0  }
0x1ed: {  	v3 =	vld [tilespmem:s19+$0xFFFFFE30]  }
0x1ee: {  	v0 =	vadd.f32 v1, v0  }
0x1ef: {  	v1 =	vld [tilespmem:s19+$0xFFFFFEB0]  }
0x1f0: {  	v0 =	vadd.f32 v2, v0  }
0x1f1: {  	v2 =	vld [tilespmem:s19+$0xFFFFFF30]  }
0x1f2: {  	v0 =	vadd.f32 v3, v0  }
0x1f3: {  	v3 =	vld [tilespmem:s19+$0xFFFFFFB0]  }
0x1f4: {  	v0 =	vadd.f32 v1, v0  }
0x1f5: {  	v1 =	vld [tilespmem:s19+$0x30]  }
0x1f6: {  	v0 =	vadd.f32 v2, v0  }
0x1f7: {  	v2 =	vld [tilespmem:s19+$0xB0]  }
0x1f8: {  	v0 =	vadd.f32 v3, v0  }
0x1f9: {  	v3 =	vld [tilespmem:s19+$0x130]  }
0x1fa: {  	v0 =	vadd.f32 v1, v0  }
0x1fb: {  	v1 =	vld [tilespmem:s19+$0x1B0]  }
0x1fc: {  	v0 =	vadd.f32 v2, v0  }
0x1fd: {  	v2 =	vld [tilespmem:s19+$0x230]  }
0x1fe: {  	v0 =	vadd.f32 v3, v0  }
0x1ff: {  	v3 =	vld [tilespmem:s19+$0x2B0]  }
0x200: {  	v0 =	vadd.f32 v1, v0  }
0x201: {  	v1 =	vld [tilespmem:s19+$0x330]  }
0x202: {  	v0 =	vadd.f32 v2, v0  }
0x203: {  	v2 =	vld [tilespmem:s19+$0x3B0]  }
0x204: {  	v0 =	vadd.f32 v3, v0  }
0x205: {  	v3 =	vld [tilespmem:s19+$0x430]  }
0x206: {  	v0 =	vadd.f32 v1, v0  }
0x207: {  	v1 =	vld [tilespmem:s19+$0x4B0]  }
0x208: {  	v0 =	vadd.f32 v2, v0;
	_ =	sdelay $0x1  }
0x209: {  	v0 =	vadd.f32 v3, v0;
	_ =	sdelay $0x1  }
0x20a: {  	v0 =	vadd.f32 v1, v0;
	_ =	sdelay $0x1  }
0x20b: {  	[tilespmem:s20+$0xB030] =	vst v0  }
0x20c: {  	v0 =	vld [tilespmem:s19+$0xFFFFFB40]  }
0x20d: {  	v1 =	vld [tilespmem:s19+$0xFFFFFBC0];
	_ =	sdelay $0x1  }
0x20e: {  	v2 =	vld [tilespmem:s19+$0xFFFFFC40];
	_ =	sdelay $0x1  }
0x20f: {  	v3 =	vld [tilespmem:s19+$0xFFFFFCC0]  }
0x210: {  	v0 =	vadd.f32 v1, v0  }
0x211: {  	v1 =	vld [tilespmem:s19+$0xFFFFFD40]  }
0x212: {  	v0 =	vadd.f32 v2, v0  }
0x213: {  	v2 =	vld [tilespmem:s19+$0xFFFFFDC0]  }
0x214: {  	v0 =	vadd.f32 v3, v0  }
0x215: {  	v3 =	vld [tilespmem:s19+$0xFFFFFE40]  }
0x216: {  	v0 =	vadd.f32 v1, v0  }
0x217: {  	v1 =	vld [tilespmem:s19+$0xFFFFFEC0]  }
0x218: {  	v0 =	vadd.f32 v2, v0  }
0x219: {  	v2 =	vld [tilespmem:s19+$0xFFFFFF40]  }
0x21a: {  	v0 =	vadd.f32 v3, v0  }
0x21b: {  	v3 =	vld [tilespmem:s19+$0xFFFFFFC0]  }
0x21c: {  	v0 =	vadd.f32 v1, v0  }
0x21d: {  	v1 =	vld [tilespmem:s19+$0x40]  }
0x21e: {  	v0 =	vadd.f32 v2, v0  }
0x21f: {  	v2 =	vld [tilespmem:s19+$0xC0]  }
0x220: {  	v0 =	vadd.f32 v3, v0  }
0x221: {  	v3 =	vld [tilespmem:s19+$0x140]  }
0x222: {  	v0 =	vadd.f32 v1, v0  }
0x223: {  	v1 =	vld [tilespmem:s19+$0x1C0]  }
0x224: {  	v0 =	vadd.f32 v2, v0  }
0x225: {  	v2 =	vld [tilespmem:s19+$0x240]  }
0x226: {  	v0 =	vadd.f32 v3, v0  }
0x227: {  	v3 =	vld [tilespmem:s19+$0x2C0]  }
0x228: {  	v0 =	vadd.f32 v1, v0  }
0x229: {  	v1 =	vld [tilespmem:s19+$0x340]  }
0x22a: {  	v0 =	vadd.f32 v2, v0  }
0x22b: {  	v2 =	vld [tilespmem:s19+$0x3C0]  }
0x22c: {  	v0 =	vadd.f32 v3, v0  }
0x22d: {  	v3 =	vld [tilespmem:s19+$0x440]  }
0x22e: {  	v0 =	vadd.f32 v1, v0  }
0x22f: {  	v1 =	vld [tilespmem:s19+$0x4C0]  }
0x230: {  	v0 =	vadd.f32 v2, v0;
	_ =	sdelay $0x1  }
0x231: {  	v0 =	vadd.f32 v3, v0;
	_ =	sdelay $0x1  }
0x232: {  	v0 =	vadd.f32 v1, v0;
	_ =	sdelay $0x1  }
0x233: {  	[tilespmem:s20+$0xB040] =	vst v0  }
0x234: {  	v0 =	vld [tilespmem:s19+$0xFFFFFB50]  }
0x235: {  	v1 =	vld [tilespmem:s19+$0xFFFFFBD0]  }
0x236: {  	v2 =	vld [tilespmem:s19+$0xFFFFFC50]  }
0x237: {  	v3 =	vld [tilespmem:s19+$0xFFFFFCD0]  }
0x238: {  	v4 =	vld [tilespmem:s19+$0xFFFFFD50]  }
0x239: {  	v5 =	vld [tilespmem:s19+$0xFFFFFDD0]  }
0x23a: {  	v0 =	vadd.f32 v1, v0;
	v1 =	vld [tilespmem:s19+$0xFFFFFE50]  }
0x23b: {  	v6 =	vld [tilespmem:s19+$0xFFFFFED0]  }
0x23c: {  	v0 =	vadd.f32 v2, v0;
	v2 =	vld [tilespmem:s19+$0xFFFFFF50]  }
0x23d: {  	v7 =	vld [tilespmem:s19+$0xFFFFFFD0]  }
0x23e: {  	v0 =	vadd.f32 v3, v0;
	v3 =	vld [tilespmem:s19+$0x50]  }
0x23f: {  	v8 =	vld [tilespmem:s19+$0xD0]  }
0x240: {  	v0 =	vadd.f32 v4, v0;
	v4 =	vld [tilespmem:s19+$0x150]  }
0x241: {  	v9 =	vld [tilespmem:s19+$0x1D0]  }
0x242: {  	v0 =	vadd.f32 v5, v0;
	v5 =	vld [tilespmem:s19+$0x250]  }
0x243: {  	v10 =	vld [tilespmem:s19+$0x2D0]  }
0x244: {  	v0 =	vadd.f32 v1, v0;
	v1 =	vld [tilespmem:s19+$0x350]  }
0x245: {  	v11 =	vld [tilespmem:s19+$0x3D0]  }
0x246: {  	v0 =	vadd.f32 v6, v0;
	v6 =	vld [tilespmem:s19+$0x450]  }
0x247: {  	v12 =	vld [tilespmem:s19+$0x4D0]  }
0x248: {  	v0 =	vadd.f32 v2, v0;
	_ =	sdelay $0x1  }
0x249: {  	v0 =	vadd.f32 v7, v0;
	_ =	sdelay $0x1  }
0x24a: {  	v0 =	vadd.f32 v3, v0;
	_ =	sdelay $0x1  }
0x24b: {  	v0 =	vadd.f32 v8, v0;
	_ =	sdelay $0x1  }
0x24c: {  	v0 =	vadd.f32 v4, v0;
	_ =	sdelay $0x1  }
0x24d: {  	v0 =	vadd.f32 v9, v0;
	_ =	sdelay $0x1  }
0x24e: {  	v0 =	vadd.f32 v5, v0;
	_ =	sdelay $0x1  }
0x24f: {  	v0 =	vadd.f32 v10, v0;
	_ =	sdelay $0x1  }
0x250: {  	v0 =	vadd.f32 v1, v0;
	_ =	sdelay $0x1  }
0x251: {  	v0 =	vadd.f32 v11, v0;
	_ =	sdelay $0x1  }
0x252: {  	v0 =	vadd.f32 v6, v0;
	_ =	sdelay $0x1  }
0x253: {  	v0 =	vadd.f32 v12, v0;
	_ =	sdelay $0x1  }
0x254: {  	[tilespmem:s20+$0xB050] =	vst v0  }
0x255: {  	v0 =	vld [tilespmem:s19+$0xFFFFFB60]  }
0x256: {  	v1 =	vld [tilespmem:s19+$0xFFFFFBE0]  }
0x257: {  	v2 =	vld [tilespmem:s19+$0xFFFFFC60]  }
0x258: {  	v3 =	vld [tilespmem:s19+$0xFFFFFCE0]  }
0x259: {  	v4 =	vld [tilespmem:s19+$0xFFFFFD60]  }
0x25a: {  	v5 =	vld [tilespmem:s19+$0xFFFFFDE0]  }
0x25b: {  	v0 =	vadd.f32 v1, v0;
	v1 =	vld [tilespmem:s19+$0xFFFFFE60]  }
0x25c: {  	v6 =	vld [tilespmem:s19+$0xFFFFFEE0]  }
0x25d: {  	v0 =	vadd.f32 v2, v0;
	v2 =	vld [tilespmem:s19+$0xFFFFFF60]  }
0x25e: {  	v7 =	vld [tilespmem:s19+$0xFFFFFFE0]  }
0x25f: {  	v0 =	vadd.f32 v3, v0;
	v3 =	vld [tilespmem:s19+$0x60]  }
0x260: {  	v8 =	vld [tilespmem:s19+$0xE0]  }
0x261: {  	v0 =	vadd.f32 v4, v0;
	v4 =	vld [tilespmem:s19+$0x160]  }
0x262: {  	v9 =	vld [tilespmem:s19+$0x1E0]  }
0x263: {  	v0 =	vadd.f32 v5, v0;
	v5 =	vld [tilespmem:s19+$0x260]  }
0x264: {  	v10 =	vld [tilespmem:s19+$0x2E0]  }
0x265: {  	v0 =	vadd.f32 v1, v0;
	v1 =	vld [tilespmem:s19+$0x360]  }
0x266: {  	v11 =	vld [tilespmem:s19+$0x3E0]  }
0x267: {  	v0 =	vadd.f32 v6, v0;
	v6 =	vld [tilespmem:s19+$0x460]  }
0x268: {  	v12 =	vld [tilespmem:s19+$0x4E0]  }
0x269: {  	v0 =	vadd.f32 v2, v0;
	_ =	sdelay $0x1  }
0x26a: {  	v0 =	vadd.f32 v7, v0;
	_ =	sdelay $0x1  }
0x26b: {  	v0 =	vadd.f32 v3, v0;
	_ =	sdelay $0x1  }
0x26c: {  	v0 =	vadd.f32 v8, v0;
	_ =	sdelay $0x1  }
0x26d: {  	v0 =	vadd.f32 v4, v0;
	_ =	sdelay $0x1  }
0x26e: {  	v0 =	vadd.f32 v9, v0;
	_ =	sdelay $0x1  }
0x26f: {  	v0 =	vadd.f32 v5, v0;
	_ =	sdelay $0x1  }
0x270: {  	v0 =	vadd.f32 v10, v0;
	_ =	sdelay $0x1  }
0x271: {  	v0 =	vadd.f32 v1, v0;
	_ =	sdelay $0x1  }
0x272: {  	v0 =	vadd.f32 v11, v0;
	_ =	sdelay $0x1  }
0x273: {  	v0 =	vadd.f32 v6, v0;
	_ =	sdelay $0x1  }
0x274: {  	v0 =	vadd.f32 v12, v0;
	_ =	sdelay $0x1  }
0x275: {  	[tilespmem:s20+$0xB060] =	vst v0  }
0x276: {  	v0 =	vld [tilespmem:s19+$0xFFFFFB70]  }
0x277: {  	v1 =	vld [tilespmem:s19+$0xFFFFFBF0]  }
0x278: {  	v2 =	vld [tilespmem:s19+$0xFFFFFC70]  }
0x279: {  	v3 =	vld [tilespmem:s19+$0xFFFFFCF0]  }
0x27a: {  	v4 =	vld [tilespmem:s19+$0xFFFFFD70]  }
0x27b: {  	v5 =	vld [tilespmem:s19+$0xFFFFFDF0]  }
0x27c: {  	v0 =	vadd.f32 v1, v0;
	v1 =	vld [tilespmem:s19+$0xFFFFFE70]  }
0x27d: {  	v6 =	vld [tilespmem:s19+$0xFFFFFEF0]  }
0x27e: {  	v0 =	vadd.f32 v2, v0;
	v7 =	vld [tilespmem:s19+$0xFFFFFF70]  }
0x27f: {  	v8 =	vld [tilespmem:s19+$0xFFFFFFF0]  }
0x280: {  	v0 =	vadd.f32 v3, v0;
	v9 =	vld [tilespmem:s19+$0x70]  }
0x281: {  	v10 =	vld [tilespmem:s19+$0xF0]  }
0x282: {  	v0 =	vadd.f32 v4, v0;
	v4 =	vld [tilespmem:s19+$0x170]  }
0x283: {  	v11 =	vld [tilespmem:s19+$0x1F0]  }
0x284: {  	v0 =	vadd.f32 v5, v0;
	v5 =	vld [tilespmem:s19+$0x270]  }
0x285: {  	v12 =	vld [tilespmem:s19+$0x2F0]  }
0x286: {  	v1 =	vadd.f32 v1, v0;
	v3 =	vld [tilespmem:s19+$0x370]  }
0x287: {  	v0 =	vld [tilespmem:s19+$0x3F0]  }
0x288: {  	v6 =	vadd.f32 v6, v1;
	v1 =	vld [tilespmem:s19+$0x470]  }
0x289: {  	v2 =	vld [tilespmem:s19+$0x4F0]  }
0x28a: {  	v6 =	vadd.f32 v7, v6;
	_ =	sdelay $0x1  }
0x28b: {  	v6 =	vadd.f32 v8, v6;
	_ =	sdelay $0x1  }
0x28c: {  	v6 =	vadd.f32 v9, v6;
	_ =	sdelay $0x1  }
0x28d: {  	v6 =	vadd.f32 v10, v6;
	_ =	sdelay $0x1  }
0x28e: {  	v4 =	vadd.f32 v4, v6;
	_ =	sdelay $0x1  }
.Ltmp0:
0x28f: {  	v4 =	vadd.f32 v11, v4;
	(pc) =	sbr.rel @p0 .LBB2_4-.Ltmp0, $3  }
0x290: {  	_ = 	snop  }
0x291: {  	v4 =	vadd.f32 v5, v4;
	_ =	sdelay $0x1  }
0x292: {  	v4 =	vadd.f32 v12, v4  }
0x293: {  	_ = 	snop  }
0x294: {  	v3 =	vadd.f32 v3, v4;
	_ =	sdelay $0x1  }
0x295: {  	v0 =	vadd.f32 v0, v3;
	_ =	sdelay $0x1  }
0x296: {  	v0 =	vadd.f32 v1, v0;
	_ =	sdelay $0x1  }
0x297: {  	s19 =	sshll.u32 s17, $0x8;
	s17 =	sadd.s32 $0x1, s17;
	v0 =	vadd.f32 v2, v0  }
0x298: {  	p0 =	sne.s32 s17, $0x8  }
.Ltmp1:
0x299: {  	s19 =	sadd.s32 s19, s18;
	[tilespmem:s20+$0xB070] =	vst v0;
	(pc) =	sbr.rel @p0 .LBB2_3-.Ltmp1, $4  }
0x29a: {  	[hbm4b:s19+s3] =	stream.linear.scatter [tilespmem:s14], [sflag:$0x2], $0x800, $0x38;
	[tilespmem:$0xB800] =	vst v63  }
0x29b: {  	_ =	swait.ge [sflag:s7], $0x800  }
0x29c: {  	[sflag:s7] =	ssyncset.done $0x0  }
0x29d: {  	[sflag:s7] =	ssyncadd.s32 $0xFFFFF800  }
0x29e: {  	s16 =	sadd.s32 $0x1, s16  }
0x29f: {  	p0 =	sne.s32 s16, $0x1A  }
.Ltmp2:
0x2a0: {  	_ = 	snop;
	(pc) =	sbr.rel @p0 .LBB2_2-.Ltmp2, $1  }
0x2a1: {  	_ =	sdelay $0x3  }
0x2a2: {  	s15 =	sadd.s32 $0x1, s15  }
0x2a3: {  	p0 =	sne.s32 s15, s6  }
.Ltmp3:
0x2a4: {  	_ = 	snop;
	(pc) =	sbr.rel @p0 .LBB2_1-.Ltmp3, $1  }
0x2a5: {  	_ =	sdelay $0x3  }
0x2a6: {  	_ =	sfence.sel $0x180000  }
0x2a7: {  	[bflag:$0x0] =	sbarrier.arrive $0xFFFF  }
0x2a8: {  	p0 =	sne.s32 s1, $0x0;
	_ =	strace $0x90000047  }
0x2a9: {  	s0 =	sadd.s32 @!p0 $0x100000, s0;
	[bflag:$0x2] =	sbarrier.arrive $0xFFFF  }
0x2aa: {  	[sflag:s0] =	ssyncadd.tile.s32 @!p0 $0x1;
	_ =	shalt  }
.Lfunc_end2:
_tile_overlayer_lowered:
.L_overlay_start_2:
0x2ab: {  	(tag) =	ssettag $0x2  }
0x2ac: {  	s0 =	rddreg [dreg:$0x0];
	s2 =	stileid.u32  }
0x2ad: {  	s1 =	rddreg [dreg:$0x1];
	p0 =	sne.s32 s2, $0x0  }
0x2ae: {  	s3 =	rddreg [dreg:$0x2];
	[bflag:$0x3] =	sbarrier.arrive $0xFFFF;
	s2 =	simm.s32 @!p0 $0x1C02  }
0x2af: {  	[timem:s3], [sflag:s2] =	dma.local @!p0 [hbm:s0], s1  }
0x2b0: {  	s0 =	simm.s32 @!p0 $0x2  }
0x2b1: {  	_ =	swait.ge @!p0 [sflag:s0], s1  }
0x2b2: {  	s1 =	ssub.s32 @!p0 $0x0, s1;
	[sflag:s0] =	ssyncset.done @!p0 $0x0  }
0x2b3: {  	[sflag:s0] =	ssyncadd.s32 @!p0 s1  }
0x2b4: {  	[bflag:$0x3] =	sbarrier.arrive $0xFFFF  }
0x2b5: {  	_ =	shalt  }

</sc_bundles>
